<compile_context>
chip_gen: v7x
topology: tpu7x:2x2x1
jax: 0.10.2.dev20260603
libtpu: 0.0.44.dev20260713+nightly
codegen_flags: <defaults>
</compile_context>

<pallas_src>
import functools

import jax
import jax.numpy as jnp
from jax import lax
from jax.experimental import pallas as pl
from jax.experimental.pallas import tpu as pltpu
from jax.experimental.pallas import tpu_sc as plsc

EMB_DIM = 128

NC = 2
NS = 16
NW = NC * NS

NBUF = 5


@jax.jit
def _gather_rows(idx_t, table):
    fields, batch = idx_t.shape
    s_per_w = batch // NW
    mesh = plsc.VectorSubcoreMesh(core_axis_name="c", subcore_axis_name="s")

    @functools.partial(
        pl.kernel,
        mesh=mesh,
        out_type=jax.ShapeDtypeStruct((fields, batch, EMB_DIM), jnp.float32),
        scratch_types=[
            pltpu.VMEM((fields, s_per_w), jnp.int32),
            pltpu.VMEM((s_per_w, EMB_DIM), jnp.float32),
            pltpu.VMEM((s_per_w, EMB_DIM), jnp.float32),
            pltpu.VMEM((s_per_w, EMB_DIM), jnp.float32),
            pltpu.VMEM((s_per_w, EMB_DIM), jnp.float32),
            pltpu.VMEM((s_per_w, EMB_DIM), jnp.float32),
            pltpu.SemaphoreType.DMA,
            pltpu.SemaphoreType.DMA,
            pltpu.SemaphoreType.DMA,
            pltpu.SemaphoreType.DMA,
            pltpu.SemaphoreType.DMA,
            pltpu.SemaphoreType.DMA,
            pltpu.SemaphoreType.DMA,
            pltpu.SemaphoreType.DMA,
            pltpu.SemaphoreType.DMA,
            pltpu.SemaphoreType.DMA,
        ],
    )
    def k(idx_hbm, table_hbm, out_hbm, idx_v,
          b0, b1, b2, b3, b4, g0, g1, g2, g3, g4, w0, w1, w2, w3, w4):
        bufs = (b0, b1, b2, b3, b4)
        gsem = (g0, g1, g2, g3, g4)
        wsem = (w0, w1, w2, w3, w4)
        wid = lax.axis_index("s") * NC + lax.axis_index("c")
        sample0 = wid * s_per_w

        pltpu.sync_copy(idx_hbm.at[:, pl.ds(sample0, s_per_w)], idx_v)

        def gather(c, b):
            pltpu.async_copy(table_hbm.at[idx_v.at[c]], bufs[b], gsem[b])

        def write(c, b):
            return pltpu.make_async_copy(
                bufs[b], out_hbm.at[c, pl.ds(sample0, s_per_w)], wsem[b])

        def wait_gather(c, b):
            pltpu.make_async_copy(table_hbm.at[idx_v.at[c]], bufs[b],
                                  gsem[b]).wait()

        gather(0, 0)
        gather(1, 1)
        gather(2, 2)
        wait_gather(0, 0)
        write(0, 0).start()
        gather(3, 3)
        wait_gather(1, 1)
        write(1, 1).start()
        gather(4, 4)

        def body(g, carry):
            for b in range(NBUF):
                c = g * NBUF + b
                write(c - NBUF, b).wait()
                gather(c, b)
                b2 = (b + 2) % NBUF
                wait_gather(c - 3, b2)
                write(c - 3, b2).start()
            return carry

        lax.fori_loop(1, fields // NBUF, body, 0)

        for t in (3, 2, 1):
            wait_gather(fields - t, (fields - t) % NBUF)
            write(fields - t, (fields - t) % NBUF).start()
        for b in range(NBUF):
            write(fields - NBUF + b, b).wait()

    return k(idx_t, table)


def kernel(input, table):
    out_t = _gather_rows(input.T.astype(jnp.int32), table)
    return out_t.transpose(1, 0, 2)

# --- scband reference (transcript-rebuilt; emitter-appended) ---
"""Pipeline reference for scband-embed-63324997812879 (READ-ONLY COPY).

The authoritative reference and input builder live on the scoring server;
editing this copy changes nothing except your own understanding.
"""

import jax, jax.numpy as jnp
import numpy as np

NUM_EMB = 100000
EMB_DIM = 128
BATCH = 4096
FIELDS = 100

def setup_inputs(seed: int = 0) -> dict:
    key = jax.random.key(seed)
    k1, k2 = jax.random.split(key)
    input_idx = jax.random.randint(k1, (BATCH, FIELDS), 0, NUM_EMB, dtype=jnp.int64 if jax.config.jax_enable_x64 else jnp.int32)
    table = jax.random.normal(k2, (NUM_EMB, EMB_DIM), dtype=jnp.float32)
    return {"input": input_idx, "table": table}

def reference(input, table):
    # nn.Embedding forward: row gather from the embedding table
    output = jnp.take(table, input, axis=0)
    return output

if __name__ == "__main__":
    import jax
    _d = setup_inputs()
    print(jax.jit(kernel)(*tuple(_d.values())))

</pallas_src>

<mosaic_0001>
#map = affine_map<(d0, d1) -> (0, 0)>
#map1 = affine_map<(d0, d1) -> (0, 0, 0)>
module attributes {stable_mosaic.version = 14 : i64} {
  func.func @k(%arg0: i32, %arg1: i32, %arg2: memref<100x4096xi32, #tpu.memory_space<hbm>>, %arg3: memref<100000x128xf32, #tpu.memory_space<hbm>>, %arg4: memref<100x4096x128xf32, #tpu.memory_space<hbm>>, %arg5: memref<100x128xi32, #tpu.memory_space<vmem>>, %arg6: memref<128x128xf32, #tpu.memory_space<vmem>>, %arg7: memref<128x128xf32, #tpu.memory_space<vmem>>, %arg8: memref<128x128xf32, #tpu.memory_space<vmem>>, %arg9: memref<128x128xf32, #tpu.memory_space<vmem>>, %arg10: memref<128x128xf32, #tpu.memory_space<vmem>>, %arg11: memref<!tpu.dma_semaphore, #tpu.memory_space<semaphore_mem>>, %arg12: memref<!tpu.dma_semaphore, #tpu.memory_space<semaphore_mem>>, %arg13: memref<!tpu.dma_semaphore, #tpu.memory_space<semaphore_mem>>, %arg14: memref<!tpu.dma_semaphore, #tpu.memory_space<semaphore_mem>>, %arg15: memref<!tpu.dma_semaphore, #tpu.memory_space<semaphore_mem>>, %arg16: memref<!tpu.dma_semaphore, #tpu.memory_space<semaphore_mem>>, %arg17: memref<!tpu.dma_semaphore, #tpu.memory_space<semaphore_mem>>, %arg18: memref<!tpu.dma_semaphore, #tpu.memory_space<semaphore_mem>>, %arg19: memref<!tpu.dma_semaphore, #tpu.memory_space<semaphore_mem>>, %arg20: memref<!tpu.dma_semaphore, #tpu.memory_space<semaphore_mem>>) attributes {dimension_semantics = [#tpu.dimension_semantics<core_parallel>, #tpu.dimension_semantics<subcore_parallel>], iteration_bounds = array<i64: 2, 16>, scalar_prefetch = 0 : i64, scratch_operands = 16 : i64, tpu.core_type = #tpu.core_type<sc_vector_subcore>, window_params = [{transform_indices = #map}, {transform_indices = #map}, {transform_indices = #map1}]} {
    %mul3A = arith.constant 2 : i32
    %mul3A_0 = arith.muli %arg1, %mul3A : i32
    %add3A = arith.addi %mul3A_0, %arg0 : i32
    %mul3A_1 = arith.constant 128 : i32
    %mul3A_2 = arith.muli %add3A, %mul3A_1 : i32
    "tpu.region"() ({
      %run_scoped3A = tpu.sem_alloc : memref<!tpu.dma_semaphore, #tpu.memory_space<semaphore_mem>>
      %dma_start3A_146 = arith.constant 0 : i32
      %dma_start3A_147 = tpu.memref_slice %arg2[%dma_start3A_146, %mul3A_2] : memref<100x4096xi32, #tpu.memory_space<hbm>> -> memref<100x128xi32, #tpu.memory_space<hbm>>
      %dma_start3A_148 = arith.constant 0 : i32
      %dma_start3A_149 = tpu.memref_slice %arg2[%dma_start3A_148, %mul3A_2] : memref<100x4096xi32, #tpu.memory_space<hbm>> -> memref<100x128xi32, #tpu.memory_space<hbm>>
      tpu.enqueue_dma source(%dma_start3A_149 : memref<100x128xi32, #tpu.memory_space<hbm>>) target(%arg5 : memref<100x128xi32, #tpu.memory_space<vmem>>) target_semaphore(%run_scoped3A : memref<!tpu.dma_semaphore, #tpu.memory_space<semaphore_mem>>)
      %dma_wait3A_150 = arith.constant 0 : i32
      %dma_wait3A_151 = tpu.memref_slice %arg2[%dma_wait3A_150, %mul3A_2] : memref<100x4096xi32, #tpu.memory_space<hbm>> -> memref<100x128xi32, #tpu.memory_space<hbm>>
      %dma_wait3A_152 = arith.constant 0 : i32
      %dma_wait3A_153 = tpu.memref_slice %arg2[%dma_wait3A_152, %mul3A_2] : memref<100x4096xi32, #tpu.memory_space<hbm>> -> memref<100x128xi32, #tpu.memory_space<hbm>>
      tpu.wait_dma2 semaphore(%run_scoped3A : memref<!tpu.dma_semaphore, #tpu.memory_space<semaphore_mem>>) src(%dma_wait3A_153 : memref<100x128xi32, #tpu.memory_space<hbm>>) dst(%arg5 : memref<100x128xi32, #tpu.memory_space<vmem>>)
      tpu.yield
    }) : () -> ()
    %dma_start3A = arith.constant 0 : i32
    %dma_start3A_3 = arith.constant 0 : i32
    %dma_start3A_4 = tpu.memref_slice %arg5[%dma_start3A, %dma_start3A_3] : memref<100x128xi32, #tpu.memory_space<vmem>> -> memref<1x128xi32, #tpu.memory_space<vmem>>
    %dma_start3A_5 = tpu.memref_squeeze %dma_start3A_4 : memref<1x128xi32, #tpu.memory_space<vmem>> -> memref<128xi32, #tpu.memory_space<vmem>>
    %dma_start3A_6 = arith.constant 0 : i32
    %dma_start3A_7 = arith.constant 0 : i32
    %dma_start3A_8 = tpu.memref_slice %arg3[%dma_start3A_6, %dma_start3A_7] : memref<100000x128xf32, #tpu.memory_space<hbm>> -> memref<100000x128xf32, #tpu.memory_space<hbm>>
    tpu.enqueue_indirect_dma source(%dma_start3A_8 : memref<100000x128xf32, #tpu.memory_space<hbm>>) target(%arg6 : memref<128x128xf32, #tpu.memory_space<vmem>>) offsets(%dma_start3A_5 : memref<128xi32, #tpu.memory_space<vmem>>) semaphore(%arg11 : memref<!tpu.dma_semaphore, #tpu.memory_space<semaphore_mem>>)
    %dma_start3A_9 = arith.constant 1 : i32
    %dma_start3A_10 = arith.constant 0 : i32
    %dma_start3A_11 = tpu.memref_slice %arg5[%dma_start3A_9, %dma_start3A_10] : memref<100x128xi32, #tpu.memory_space<vmem>> -> memref<1x128xi32, #tpu.memory_space<vmem>>
    %dma_start3A_12 = tpu.memref_squeeze %dma_start3A_11 : memref<1x128xi32, #tpu.memory_space<vmem>> -> memref<128xi32, #tpu.memory_space<vmem>>
    %dma_start3A_13 = arith.constant 0 : i32
    %dma_start3A_14 = arith.constant 0 : i32
    %dma_start3A_15 = tpu.memref_slice %arg3[%dma_start3A_13, %dma_start3A_14] : memref<100000x128xf32, #tpu.memory_space<hbm>> -> memref<100000x128xf32, #tpu.memory_space<hbm>>
    tpu.enqueue_indirect_dma source(%dma_start3A_15 : memref<100000x128xf32, #tpu.memory_space<hbm>>) target(%arg7 : memref<128x128xf32, #tpu.memory_space<vmem>>) offsets(%dma_start3A_12 : memref<128xi32, #tpu.memory_space<vmem>>) semaphore(%arg12 : memref<!tpu.dma_semaphore, #tpu.memory_space<semaphore_mem>>)
    %dma_start3A_16 = arith.constant 2 : i32
    %dma_start3A_17 = arith.constant 0 : i32
    %dma_start3A_18 = tpu.memref_slice %arg5[%dma_start3A_16, %dma_start3A_17] : memref<100x128xi32, #tpu.memory_space<vmem>> -> memref<1x128xi32, #tpu.memory_space<vmem>>
    %dma_start3A_19 = tpu.memref_squeeze %dma_start3A_18 : memref<1x128xi32, #tpu.memory_space<vmem>> -> memref<128xi32, #tpu.memory_space<vmem>>
    %dma_start3A_20 = arith.constant 0 : i32
    %dma_start3A_21 = arith.constant 0 : i32
    %dma_start3A_22 = tpu.memref_slice %arg3[%dma_start3A_20, %dma_start3A_21] : memref<100000x128xf32, #tpu.memory_space<hbm>> -> memref<100000x128xf32, #tpu.memory_space<hbm>>
    tpu.enqueue_indirect_dma source(%dma_start3A_22 : memref<100000x128xf32, #tpu.memory_space<hbm>>) target(%arg8 : memref<128x128xf32, #tpu.memory_space<vmem>>) offsets(%dma_start3A_19 : memref<128xi32, #tpu.memory_space<vmem>>) semaphore(%arg13 : memref<!tpu.dma_semaphore, #tpu.memory_space<semaphore_mem>>)
    %dma_wait3A = arith.constant 0 : i32
    %dma_wait3A_23 = arith.constant 0 : i32
    %dma_wait3A_24 = tpu.memref_slice %arg5[%dma_wait3A, %dma_wait3A_23] : memref<100x128xi32, #tpu.memory_space<vmem>> -> memref<1x128xi32, #tpu.memory_space<vmem>>
    %dma_wait3A_25 = tpu.memref_squeeze %dma_wait3A_24 : memref<1x128xi32, #tpu.memory_space<vmem>> -> memref<128xi32, #tpu.memory_space<vmem>>
    %dma_wait3A_26 = arith.constant 0 : i32
    %dma_wait3A_27 = arith.constant 0 : i32
    %dma_wait3A_28 = tpu.memref_slice %arg3[%dma_wait3A_26, %dma_wait3A_27] : memref<100000x128xf32, #tpu.memory_space<hbm>> -> memref<100000x128xf32, #tpu.memory_space<hbm>>
    tpu.wait_indirect_dma semaphore(%arg11 : memref<!tpu.dma_semaphore, #tpu.memory_space<semaphore_mem>>) src(%dma_wait3A_28 : memref<100000x128xf32, #tpu.memory_space<hbm>>) dst(%arg6 : memref<128x128xf32, #tpu.memory_space<vmem>>)
    %dma_start3A_29 = arith.constant 0 : i32
    %dma_start3A_30 = arith.constant 0 : i32
    %dma_start3A_31 = tpu.memref_slice %arg4[%dma_start3A_29, %mul3A_2, %dma_start3A_30] : memref<100x4096x128xf32, #tpu.memory_space<hbm>> -> memref<1x128x128xf32, #tpu.memory_space<hbm>>
    %dma_start3A_32 = tpu.memref_squeeze %dma_start3A_31 : memref<1x128x128xf32, #tpu.memory_space<hbm>> -> memref<128x128xf32, #tpu.memory_space<hbm>>
    %dma_start3A_33 = arith.constant 0 : i32
    %dma_start3A_34 = tpu.memref_slice %arg4[%dma_start3A_29, %mul3A_2, %dma_start3A_33] : memref<100x4096x128xf32, #tpu.memory_space<hbm>> -> memref<1x128x128xf32, #tpu.memory_space<hbm>>
    %dma_start3A_35 = tpu.memref_squeeze %dma_start3A_34 : memref<1x128x128xf32, #tpu.memory_space<hbm>> -> memref<128x128xf32, #tpu.memory_space<hbm>>
    tpu.enqueue_dma source(%arg6 : memref<128x128xf32, #tpu.memory_space<vmem>>) target(%dma_start3A_35 : memref<128x128xf32, #tpu.memory_space<hbm>>) target_semaphore(%arg16 : memref<!tpu.dma_semaphore, #tpu.memory_space<semaphore_mem>>)
    %dma_start3A_36 = arith.constant 3 : i32
    %dma_start3A_37 = arith.constant 0 : i32
    %dma_start3A_38 = tpu.memref_slice %arg5[%dma_start3A_36, %dma_start3A_37] : memref<100x128xi32, #tpu.memory_space<vmem>> -> memref<1x128xi32, #tpu.memory_space<vmem>>
    %dma_start3A_39 = tpu.memref_squeeze %dma_start3A_38 : memref<1x128xi32, #tpu.memory_space<vmem>> -> memref<128xi32, #tpu.memory_space<vmem>>
    %dma_start3A_40 = arith.constant 0 : i32
    %dma_start3A_41 = arith.constant 0 : i32
    %dma_start3A_42 = tpu.memref_slice %arg3[%dma_start3A_40, %dma_start3A_41] : memref<100000x128xf32, #tpu.memory_space<hbm>> -> memref<100000x128xf32, #tpu.memory_space<hbm>>
    tpu.enqueue_indirect_dma source(%dma_start3A_42 : memref<100000x128xf32, #tpu.memory_space<hbm>>) target(%arg9 : memref<128x128xf32, #tpu.memory_space<vmem>>) offsets(%dma_start3A_39 : memref<128xi32, #tpu.memory_space<vmem>>) semaphore(%arg14 : memref<!tpu.dma_semaphore, #tpu.memory_space<semaphore_mem>>)
    %dma_wait3A_43 = arith.constant 1 : i32
    %dma_wait3A_44 = arith.constant 0 : i32
    %dma_wait3A_45 = tpu.memref_slice %arg5[%dma_wait3A_43, %dma_wait3A_44] : memref<100x128xi32, #tpu.memory_space<vmem>> -> memref<1x128xi32, #tpu.memory_space<vmem>>
    %dma_wait3A_46 = tpu.memref_squeeze %dma_wait3A_45 : memref<1x128xi32, #tpu.memory_space<vmem>> -> memref<128xi32, #tpu.memory_space<vmem>>
    %dma_wait3A_47 = arith.constant 0 : i32
    %dma_wait3A_48 = arith.constant 0 : i32
    %dma_wait3A_49 = tpu.memref_slice %arg3[%dma_wait3A_47, %dma_wait3A_48] : memref<100000x128xf32, #tpu.memory_space<hbm>> -> memref<100000x128xf32, #tpu.memory_space<hbm>>
    tpu.wait_indirect_dma semaphore(%arg12 : memref<!tpu.dma_semaphore, #tpu.memory_space<semaphore_mem>>) src(%dma_wait3A_49 : memref<100000x128xf32, #tpu.memory_space<hbm>>) dst(%arg7 : memref<128x128xf32, #tpu.memory_space<vmem>>)
    %dma_start3A_50 = arith.constant 1 : i32
    %dma_start3A_51 = arith.constant 0 : i32
    %dma_start3A_52 = tpu.memref_slice %arg4[%dma_start3A_50, %mul3A_2, %dma_start3A_51] : memref<100x4096x128xf32, #tpu.memory_space<hbm>> -> memref<1x128x128xf32, #tpu.memory_space<hbm>>
    %dma_start3A_53 = tpu.memref_squeeze %dma_start3A_52 : memref<1x128x128xf32, #tpu.memory_space<hbm>> -> memref<128x128xf32, #tpu.memory_space<hbm>>
    %dma_start3A_54 = arith.constant 0 : i32
    %dma_start3A_55 = tpu.memref_slice %arg4[%dma_start3A_50, %mul3A_2, %dma_start3A_54] : memref<100x4096x128xf32, #tpu.memory_space<hbm>> -> memref<1x128x128xf32, #tpu.memory_space<hbm>>
    %dma_start3A_56 = tpu.memref_squeeze %dma_start3A_55 : memref<1x128x128xf32, #tpu.memory_space<hbm>> -> memref<128x128xf32, #tpu.memory_space<hbm>>
    tpu.enqueue_dma source(%arg7 : memref<128x128xf32, #tpu.memory_space<vmem>>) target(%dma_start3A_56 : memref<128x128xf32, #tpu.memory_space<hbm>>) target_semaphore(%arg17 : memref<!tpu.dma_semaphore, #tpu.memory_space<semaphore_mem>>)
    %dma_start3A_57 = arith.constant 4 : i32
    %dma_start3A_58 = arith.constant 0 : i32
    %dma_start3A_59 = tpu.memref_slice %arg5[%dma_start3A_57, %dma_start3A_58] : memref<100x128xi32, #tpu.memory_space<vmem>> -> memref<1x128xi32, #tpu.memory_space<vmem>>
    %dma_start3A_60 = tpu.memref_squeeze %dma_start3A_59 : memref<1x128xi32, #tpu.memory_space<vmem>> -> memref<128xi32, #tpu.memory_space<vmem>>
    %dma_start3A_61 = arith.constant 0 : i32
    %dma_start3A_62 = arith.constant 0 : i32
    %dma_start3A_63 = tpu.memref_slice %arg3[%dma_start3A_61, %dma_start3A_62] : memref<100000x128xf32, #tpu.memory_space<hbm>> -> memref<100000x128xf32, #tpu.memory_space<hbm>>
    tpu.enqueue_indirect_dma source(%dma_start3A_63 : memref<100000x128xf32, #tpu.memory_space<hbm>>) target(%arg10 : memref<128x128xf32, #tpu.memory_space<vmem>>) offsets(%dma_start3A_60 : memref<128xi32, #tpu.memory_space<vmem>>) semaphore(%arg15 : memref<!tpu.dma_semaphore, #tpu.memory_space<semaphore_mem>>)
    %scan3A = arith.constant 0 : i32
    %scan3A_64 = arith.constant 1 : i32
    %scan3A_65 = arith.constant 19 : i32
    %scan3A_66 = arith.addi %scan3A_64, %scan3A_65 : i32
    %scan3A_67 = arith.constant 1 : i32
    scf.for %scan3A_146 = %scan3A_64 to %scan3A_66 step %scan3A_67  : i32 {
      %mul3A_147 = arith.constant 5 : i32
      %mul3A_148 = arith.muli %scan3A_146, %mul3A_147 : i32
      %add3A_149 = arith.constant 0 : i32
      %add3A_150 = arith.addi %mul3A_148, %add3A_149 : i32
      %sub3A = arith.constant 5 : i32
      %sub3A_151 = arith.subi %add3A_150, %sub3A : i32
      %dma_wait3A_152 = arith.constant 0 : i32
      %dma_wait3A_153 = tpu.memref_slice %arg4[%sub3A_151, %mul3A_2, %dma_wait3A_152] : memref<100x4096x128xf32, #tpu.memory_space<hbm>> -> memref<1x128x128xf32, #tpu.memory_space<hbm>>
      %dma_wait3A_154 = tpu.memref_squeeze %dma_wait3A_153 : memref<1x128x128xf32, #tpu.memory_space<hbm>> -> memref<128x128xf32, #tpu.memory_space<hbm>>
      %dma_wait3A_155 = arith.constant 0 : i32
      %dma_wait3A_156 = tpu.memref_slice %arg4[%sub3A_151, %mul3A_2, %dma_wait3A_155] : memref<100x4096x128xf32, #tpu.memory_space<hbm>> -> memref<1x128x128xf32, #tpu.memory_space<hbm>>
      %dma_wait3A_157 = tpu.memref_squeeze %dma_wait3A_156 : memref<1x128x128xf32, #tpu.memory_space<hbm>> -> memref<128x128xf32, #tpu.memory_space<hbm>>
      tpu.wait_dma2 semaphore(%arg16 : memref<!tpu.dma_semaphore, #tpu.memory_space<semaphore_mem>>) src(%arg6 : memref<128x128xf32, #tpu.memory_space<vmem>>) dst(%dma_wait3A_157 : memref<128x128xf32, #tpu.memory_space<hbm>>)
      %dma_start3A_158 = arith.constant 0 : i32
      %dma_start3A_159 = tpu.memref_slice %arg5[%add3A_150, %dma_start3A_158] : memref<100x128xi32, #tpu.memory_space<vmem>> -> memref<1x128xi32, #tpu.memory_space<vmem>>
      %dma_start3A_160 = tpu.memref_squeeze %dma_start3A_159 : memref<1x128xi32, #tpu.memory_space<vmem>> -> memref<128xi32, #tpu.memory_space<vmem>>
      %dma_start3A_161 = arith.constant 0 : i32
      %dma_start3A_162 = arith.constant 0 : i32
      %dma_start3A_163 = tpu.memref_slice %arg3[%dma_start3A_161, %dma_start3A_162] : memref<100000x128xf32, #tpu.memory_space<hbm>> -> memref<100000x128xf32, #tpu.memory_space<hbm>>
      tpu.enqueue_indirect_dma source(%dma_start3A_163 : memref<100000x128xf32, #tpu.memory_space<hbm>>) target(%arg6 : memref<128x128xf32, #tpu.memory_space<vmem>>) offsets(%dma_start3A_160 : memref<128xi32, #tpu.memory_space<vmem>>) semaphore(%arg11 : memref<!tpu.dma_semaphore, #tpu.memory_space<semaphore_mem>>)
      %sub3A_164 = arith.constant 3 : i32
      %sub3A_165 = arith.subi %add3A_150, %sub3A_164 : i32
      %dma_wait3A_166 = arith.constant 0 : i32
      %dma_wait3A_167 = tpu.memref_slice %arg5[%sub3A_165, %dma_wait3A_166] : memref<100x128xi32, #tpu.memory_space<vmem>> -> memref<1x128xi32, #tpu.memory_space<vmem>>
      %dma_wait3A_168 = tpu.memref_squeeze %dma_wait3A_167 : memref<1x128xi32, #tpu.memory_space<vmem>> -> memref<128xi32, #tpu.memory_space<vmem>>
      %dma_wait3A_169 = arith.constant 0 : i32
      %dma_wait3A_170 = arith.constant 0 : i32
      %dma_wait3A_171 = tpu.memref_slice %arg3[%dma_wait3A_169, %dma_wait3A_170] : memref<100000x128xf32, #tpu.memory_space<hbm>> -> memref<100000x128xf32, #tpu.memory_space<hbm>>
      tpu.wait_indirect_dma semaphore(%arg13 : memref<!tpu.dma_semaphore, #tpu.memory_space<semaphore_mem>>) src(%dma_wait3A_171 : memref<100000x128xf32, #tpu.memory_space<hbm>>) dst(%arg8 : memref<128x128xf32, #tpu.memory_space<vmem>>)
      %sub3A_172 = arith.constant 3 : i32
      %sub3A_173 = arith.subi %add3A_150, %sub3A_172 : i32
      %dma_start3A_174 = arith.constant 0 : i32
      %dma_start3A_175 = tpu.memref_slice %arg4[%sub3A_173, %mul3A_2, %dma_start3A_174] : memref<100x4096x128xf32, #tpu.memory_space<hbm>> -> memref<1x128x128xf32, #tpu.memory_space<hbm>>
      %dma_start3A_176 = tpu.memref_squeeze %dma_start3A_175 : memref<1x128x128xf32, #tpu.memory_space<hbm>> -> memref<128x128xf32, #tpu.memory_space<hbm>>
      %dma_start3A_177 = arith.constant 0 : i32
      %dma_start3A_178 = tpu.memref_slice %arg4[%sub3A_173, %mul3A_2, %dma_start3A_177] : memref<100x4096x128xf32, #tpu.memory_space<hbm>> -> memref<1x128x128xf32, #tpu.memory_space<hbm>>
      %dma_start3A_179 = tpu.memref_squeeze %dma_start3A_178 : memref<1x128x128xf32, #tpu.memory_space<hbm>> -> memref<128x128xf32, #tpu.memory_space<hbm>>
      tpu.enqueue_dma source(%arg8 : memref<128x128xf32, #tpu.memory_space<vmem>>) target(%dma_start3A_179 : memref<128x128xf32, #tpu.memory_space<hbm>>) target_semaphore(%arg18 : memref<!tpu.dma_semaphore, #tpu.memory_space<semaphore_mem>>)
      %mul3A_180 = arith.constant 5 : i32
      %mul3A_181 = arith.muli %scan3A_146, %mul3A_180 : i32
      %add3A_182 = arith.constant 1 : i32
      %add3A_183 = arith.addi %mul3A_181, %add3A_182 : i32
      %sub3A_184 = arith.constant 5 : i32
      %sub3A_185 = arith.subi %add3A_183, %sub3A_184 : i32
      %dma_wait3A_186 = arith.constant 0 : i32
      %dma_wait3A_187 = tpu.memref_slice %arg4[%sub3A_185, %mul3A_2, %dma_wait3A_186] : memref<100x4096x128xf32, #tpu.memory_space<hbm>> -> memref<1x128x128xf32, #tpu.memory_space<hbm>>
      %dma_wait3A_188 = tpu.memref_squeeze %dma_wait3A_187 : memref<1x128x128xf32, #tpu.memory_space<hbm>> -> memref<128x128xf32, #tpu.memory_space<hbm>>
      %dma_wait3A_189 = arith.constant 0 : i32
      %dma_wait3A_190 = tpu.memref_slice %arg4[%sub3A_185, %mul3A_2, %dma_wait3A_189] : memref<100x4096x128xf32, #tpu.memory_space<hbm>> -> memref<1x128x128xf32, #tpu.memory_space<hbm>>
      %dma_wait3A_191 = tpu.memref_squeeze %dma_wait3A_190 : memref<1x128x128xf32, #tpu.memory_space<hbm>> -> memref<128x128xf32, #tpu.memory_space<hbm>>
      tpu.wait_dma2 semaphore(%arg17 : memref<!tpu.dma_semaphore, #tpu.memory_space<semaphore_mem>>) src(%arg7 : memref<128x128xf32, #tpu.memory_space<vmem>>) dst(%dma_wait3A_191 : memref<128x128xf32, #tpu.memory_space<hbm>>)
      %dma_start3A_192 = arith.constant 0 : i32
      %dma_start3A_193 = tpu.memref_slice %arg5[%add3A_183, %dma_start3A_192] : memref<100x128xi32, #tpu.memory_space<vmem>> -> memref<1x128xi32, #tpu.memory_space<vmem>>
      %dma_start3A_194 = tpu.memref_squeeze %dma_start3A_193 : memref<1x128xi32, #tpu.memory_space<vmem>> -> memref<128xi32, #tpu.memory_space<vmem>>
      %dma_start3A_195 = arith.constant 0 : i32
      %dma_start3A_196 = arith.constant 0 : i32
      %dma_start3A_197 = tpu.memref_slice %arg3[%dma_start3A_195, %dma_start3A_196] : memref<100000x128xf32, #tpu.memory_space<hbm>> -> memref<100000x128xf32, #tpu.memory_space<hbm>>
      tpu.enqueue_indirect_dma source(%dma_start3A_197 : memref<100000x128xf32, #tpu.memory_space<hbm>>) target(%arg7 : memref<128x128xf32, #tpu.memory_space<vmem>>) offsets(%dma_start3A_194 : memref<128xi32, #tpu.memory_space<vmem>>) semaphore(%arg12 : memref<!tpu.dma_semaphore, #tpu.memory_space<semaphore_mem>>)
      %sub3A_198 = arith.constant 3 : i32
      %sub3A_199 = arith.subi %add3A_183, %sub3A_198 : i32
      %dma_wait3A_200 = arith.constant 0 : i32
      %dma_wait3A_201 = tpu.memref_slice %arg5[%sub3A_199, %dma_wait3A_200] : memref<100x128xi32, #tpu.memory_space<vmem>> -> memref<1x128xi32, #tpu.memory_space<vmem>>
      %dma_wait3A_202 = tpu.memref_squeeze %dma_wait3A_201 : memref<1x128xi32, #tpu.memory_space<vmem>> -> memref<128xi32, #tpu.memory_space<vmem>>
      %dma_wait3A_203 = arith.constant 0 : i32
      %dma_wait3A_204 = arith.constant 0 : i32
      %dma_wait3A_205 = tpu.memref_slice %arg3[%dma_wait3A_203, %dma_wait3A_204] : memref<100000x128xf32, #tpu.memory_space<hbm>> -> memref<100000x128xf32, #tpu.memory_space<hbm>>
      tpu.wait_indirect_dma semaphore(%arg14 : memref<!tpu.dma_semaphore, #tpu.memory_space<semaphore_mem>>) src(%dma_wait3A_205 : memref<100000x128xf32, #tpu.memory_space<hbm>>) dst(%arg9 : memref<128x128xf32, #tpu.memory_space<vmem>>)
      %sub3A_206 = arith.constant 3 : i32
      %sub3A_207 = arith.subi %add3A_183, %sub3A_206 : i32
      %dma_start3A_208 = arith.constant 0 : i32
      %dma_start3A_209 = tpu.memref_slice %arg4[%sub3A_207, %mul3A_2, %dma_start3A_208] : memref<100x4096x128xf32, #tpu.memory_space<hbm>> -> memref<1x128x128xf32, #tpu.memory_space<hbm>>
      %dma_start3A_210 = tpu.memref_squeeze %dma_start3A_209 : memref<1x128x128xf32, #tpu.memory_space<hbm>> -> memref<128x128xf32, #tpu.memory_space<hbm>>
      %dma_start3A_211 = arith.constant 0 : i32
      %dma_start3A_212 = tpu.memref_slice %arg4[%sub3A_207, %mul3A_2, %dma_start3A_211] : memref<100x4096x128xf32, #tpu.memory_space<hbm>> -> memref<1x128x128xf32, #tpu.memory_space<hbm>>
      %dma_start3A_213 = tpu.memref_squeeze %dma_start3A_212 : memref<1x128x128xf32, #tpu.memory_space<hbm>> -> memref<128x128xf32, #tpu.memory_space<hbm>>
      tpu.enqueue_dma source(%arg9 : memref<128x128xf32, #tpu.memory_space<vmem>>) target(%dma_start3A_213 : memref<128x128xf32, #tpu.memory_space<hbm>>) target_semaphore(%arg19 : memref<!tpu.dma_semaphore, #tpu.memory_space<semaphore_mem>>)
      %mul3A_214 = arith.constant 5 : i32
      %mul3A_215 = arith.muli %scan3A_146, %mul3A_214 : i32
      %add3A_216 = arith.constant 2 : i32
      %add3A_217 = arith.addi %mul3A_215, %add3A_216 : i32
      %sub3A_218 = arith.constant 5 : i32
      %sub3A_219 = arith.subi %add3A_217, %sub3A_218 : i32
      %dma_wait3A_220 = arith.constant 0 : i32
      %dma_wait3A_221 = tpu.memref_slice %arg4[%sub3A_219, %mul3A_2, %dma_wait3A_220] : memref<100x4096x128xf32, #tpu.memory_space<hbm>> -> memref<1x128x128xf32, #tpu.memory_space<hbm>>
      %dma_wait3A_222 = tpu.memref_squeeze %dma_wait3A_221 : memref<1x128x128xf32, #tpu.memory_space<hbm>> -> memref<128x128xf32, #tpu.memory_space<hbm>>
      %dma_wait3A_223 = arith.constant 0 : i32
      %dma_wait3A_224 = tpu.memref_slice %arg4[%sub3A_219, %mul3A_2, %dma_wait3A_223] : memref<100x4096x128xf32, #tpu.memory_space<hbm>> -> memref<1x128x128xf32, #tpu.memory_space<hbm>>
      %dma_wait3A_225 = tpu.memref_squeeze %dma_wait3A_224 : memref<1x128x128xf32, #tpu.memory_space<hbm>> -> memref<128x128xf32, #tpu.memory_space<hbm>>
      tpu.wait_dma2 semaphore(%arg18 : memref<!tpu.dma_semaphore, #tpu.memory_space<semaphore_mem>>) src(%arg8 : memref<128x128xf32, #tpu.memory_space<vmem>>) dst(%dma_wait3A_225 : memref<128x128xf32, #tpu.memory_space<hbm>>)
      %dma_start3A_226 = arith.constant 0 : i32
      %dma_start3A_227 = tpu.memref_slice %arg5[%add3A_217, %dma_start3A_226] : memref<100x128xi32, #tpu.memory_space<vmem>> -> memref<1x128xi32, #tpu.memory_space<vmem>>
      %dma_start3A_228 = tpu.memref_squeeze %dma_start3A_227 : memref<1x128xi32, #tpu.memory_space<vmem>> -> memref<128xi32, #tpu.memory_space<vmem>>
      %dma_start3A_229 = arith.constant 0 : i32
      %dma_start3A_230 = arith.constant 0 : i32
      %dma_start3A_231 = tpu.memref_slice %arg3[%dma_start3A_229, %dma_start3A_230] : memref<100000x128xf32, #tpu.memory_space<hbm>> -> memref<100000x128xf32, #tpu.memory_space<hbm>>
      tpu.enqueue_indirect_dma source(%dma_start3A_231 : memref<100000x128xf32, #tpu.memory_space<hbm>>) target(%arg8 : memref<128x128xf32, #tpu.memory_space<vmem>>) offsets(%dma_start3A_228 : memref<128xi32, #tpu.memory_space<vmem>>) semaphore(%arg13 : memref<!tpu.dma_semaphore, #tpu.memory_space<semaphore_mem>>)
      %sub3A_232 = arith.constant 3 : i32
      %sub3A_233 = arith.subi %add3A_217, %sub3A_232 : i32
      %dma_wait3A_234 = arith.constant 0 : i32
      %dma_wait3A_235 = tpu.memref_slice %arg5[%sub3A_233, %dma_wait3A_234] : memref<100x128xi32, #tpu.memory_space<vmem>> -> memref<1x128xi32, #tpu.memory_space<vmem>>
      %dma_wait3A_236 = tpu.memref_squeeze %dma_wait3A_235 : memref<1x128xi32, #tpu.memory_space<vmem>> -> memref<128xi32, #tpu.memory_space<vmem>>
      %dma_wait3A_237 = arith.constant 0 : i32
      %dma_wait3A_238 = arith.constant 0 : i32
      %dma_wait3A_239 = tpu.memref_slice %arg3[%dma_wait3A_237, %dma_wait3A_238] : memref<100000x128xf32, #tpu.memory_space<hbm>> -> memref<100000x128xf32, #tpu.memory_space<hbm>>
      tpu.wait_indirect_dma semaphore(%arg15 : memref<!tpu.dma_semaphore, #tpu.memory_space<semaphore_mem>>) src(%dma_wait3A_239 : memref<100000x128xf32, #tpu.memory_space<hbm>>) dst(%arg10 : memref<128x128xf32, #tpu.memory_space<vmem>>)
      %sub3A_240 = arith.constant 3 : i32
      %sub3A_241 = arith.subi %add3A_217, %sub3A_240 : i32
      %dma_start3A_242 = arith.constant 0 : i32
      %dma_start3A_243 = tpu.memref_slice %arg4[%sub3A_241, %mul3A_2, %dma_start3A_242] : memref<100x4096x128xf32, #tpu.memory_space<hbm>> -> memref<1x128x128xf32, #tpu.memory_space<hbm>>
      %dma_start3A_244 = tpu.memref_squeeze %dma_start3A_243 : memref<1x128x128xf32, #tpu.memory_space<hbm>> -> memref<128x128xf32, #tpu.memory_space<hbm>>
      %dma_start3A_245 = arith.constant 0 : i32
      %dma_start3A_246 = tpu.memref_slice %arg4[%sub3A_241, %mul3A_2, %dma_start3A_245] : memref<100x4096x128xf32, #tpu.memory_space<hbm>> -> memref<1x128x128xf32, #tpu.memory_space<hbm>>
      %dma_start3A_247 = tpu.memref_squeeze %dma_start3A_246 : memref<1x128x128xf32, #tpu.memory_space<hbm>> -> memref<128x128xf32, #tpu.memory_space<hbm>>
      tpu.enqueue_dma source(%arg10 : memref<128x128xf32, #tpu.memory_space<vmem>>) target(%dma_start3A_247 : memref<128x128xf32, #tpu.memory_space<hbm>>) target_semaphore(%arg20 : memref<!tpu.dma_semaphore, #tpu.memory_space<semaphore_mem>>)
      %mul3A_248 = arith.constant 5 : i32
      %mul3A_249 = arith.muli %scan3A_146, %mul3A_248 : i32
      %add3A_250 = arith.constant 3 : i32
      %add3A_251 = arith.addi %mul3A_249, %add3A_250 : i32
      %sub3A_252 = arith.constant 5 : i32
      %sub3A_253 = arith.subi %add3A_251, %sub3A_252 : i32
      %dma_wait3A_254 = arith.constant 0 : i32
      %dma_wait3A_255 = tpu.memref_slice %arg4[%sub3A_253, %mul3A_2, %dma_wait3A_254] : memref<100x4096x128xf32, #tpu.memory_space<hbm>> -> memref<1x128x128xf32, #tpu.memory_space<hbm>>
      %dma_wait3A_256 = tpu.memref_squeeze %dma_wait3A_255 : memref<1x128x128xf32, #tpu.memory_space<hbm>> -> memref<128x128xf32, #tpu.memory_space<hbm>>
      %dma_wait3A_257 = arith.constant 0 : i32
      %dma_wait3A_258 = tpu.memref_slice %arg4[%sub3A_253, %mul3A_2, %dma_wait3A_257] : memref<100x4096x128xf32, #tpu.memory_space<hbm>> -> memref<1x128x128xf32, #tpu.memory_space<hbm>>
      %dma_wait3A_259 = tpu.memref_squeeze %dma_wait3A_258 : memref<1x128x128xf32, #tpu.memory_space<hbm>> -> memref<128x128xf32, #tpu.memory_space<hbm>>
      tpu.wait_dma2 semaphore(%arg19 : memref<!tpu.dma_semaphore, #tpu.memory_space<semaphore_mem>>) src(%arg9 : memref<128x128xf32, #tpu.memory_space<vmem>>) dst(%dma_wait3A_259 : memref<128x128xf32, #tpu.memory_space<hbm>>)
      %dma_start3A_260 = arith.constant 0 : i32
      %dma_start3A_261 = tpu.memref_slice %arg5[%add3A_251, %dma_start3A_260] : memref<100x128xi32, #tpu.memory_space<vmem>> -> memref<1x128xi32, #tpu.memory_space<vmem>>
      %dma_start3A_262 = tpu.memref_squeeze %dma_start3A_261 : memref<1x128xi32, #tpu.memory_space<vmem>> -> memref<128xi32, #tpu.memory_space<vmem>>
      %dma_start3A_263 = arith.constant 0 : i32
      %dma_start3A_264 = arith.constant 0 : i32
      %dma_start3A_265 = tpu.memref_slice %arg3[%dma_start3A_263, %dma_start3A_264] : memref<100000x128xf32, #tpu.memory_space<hbm>> -> memref<100000x128xf32, #tpu.memory_space<hbm>>
      tpu.enqueue_indirect_dma source(%dma_start3A_265 : memref<100000x128xf32, #tpu.memory_space<hbm>>) target(%arg9 : memref<128x128xf32, #tpu.memory_space<vmem>>) offsets(%dma_start3A_262 : memref<128xi32, #tpu.memory_space<vmem>>) semaphore(%arg14 : memref<!tpu.dma_semaphore, #tpu.memory_space<semaphore_mem>>)
      %sub3A_266 = arith.constant 3 : i32
      %sub3A_267 = arith.subi %add3A_251, %sub3A_266 : i32
      %dma_wait3A_268 = arith.constant 0 : i32
      %dma_wait3A_269 = tpu.memref_slice %arg5[%sub3A_267, %dma_wait3A_268] : memref<100x128xi32, #tpu.memory_space<vmem>> -> memref<1x128xi32, #tpu.memory_space<vmem>>
      %dma_wait3A_270 = tpu.memref_squeeze %dma_wait3A_269 : memref<1x128xi32, #tpu.memory_space<vmem>> -> memref<128xi32, #tpu.memory_space<vmem>>
      %dma_wait3A_271 = arith.constant 0 : i32
      %dma_wait3A_272 = arith.constant 0 : i32
      %dma_wait3A_273 = tpu.memref_slice %arg3[%dma_wait3A_271, %dma_wait3A_272] : memref<100000x128xf32, #tpu.memory_space<hbm>> -> memref<100000x128xf32, #tpu.memory_space<hbm>>
      tpu.wait_indirect_dma semaphore(%arg11 : memref<!tpu.dma_semaphore, #tpu.memory_space<semaphore_mem>>) src(%dma_wait3A_273 : memref<100000x128xf32, #tpu.memory_space<hbm>>) dst(%arg6 : memref<128x128xf32, #tpu.memory_space<vmem>>)
      %sub3A_274 = arith.constant 3 : i32
      %sub3A_275 = arith.subi %add3A_251, %sub3A_274 : i32
      %dma_start3A_276 = arith.constant 0 : i32
      %dma_start3A_277 = tpu.memref_slice %arg4[%sub3A_275, %mul3A_2, %dma_start3A_276] : memref<100x4096x128xf32, #tpu.memory_space<hbm>> -> memref<1x128x128xf32, #tpu.memory_space<hbm>>
      %dma_start3A_278 = tpu.memref_squeeze %dma_start3A_277 : memref<1x128x128xf32, #tpu.memory_space<hbm>> -> memref<128x128xf32, #tpu.memory_space<hbm>>
      %dma_start3A_279 = arith.constant 0 : i32
      %dma_start3A_280 = tpu.memref_slice %arg4[%sub3A_275, %mul3A_2, %dma_start3A_279] : memref<100x4096x128xf32, #tpu.memory_space<hbm>> -> memref<1x128x128xf32, #tpu.memory_space<hbm>>
      %dma_start3A_281 = tpu.memref_squeeze %dma_start3A_280 : memref<1x128x128xf32, #tpu.memory_space<hbm>> -> memref<128x128xf32, #tpu.memory_space<hbm>>
      tpu.enqueue_dma source(%arg6 : memref<128x128xf32, #tpu.memory_space<vmem>>) target(%dma_start3A_281 : memref<128x128xf32, #tpu.memory_space<hbm>>) target_semaphore(%arg16 : memref<!tpu.dma_semaphore, #tpu.memory_space<semaphore_mem>>)
      %mul3A_282 = arith.constant 5 : i32
      %mul3A_283 = arith.muli %scan3A_146, %mul3A_282 : i32
      %add3A_284 = arith.constant 4 : i32
      %add3A_285 = arith.addi %mul3A_283, %add3A_284 : i32
      %sub3A_286 = arith.constant 5 : i32
      %sub3A_287 = arith.subi %add3A_285, %sub3A_286 : i32
      %dma_wait3A_288 = arith.constant 0 : i32
      %dma_wait3A_289 = tpu.memref_slice %arg4[%sub3A_287, %mul3A_2, %dma_wait3A_288] : memref<100x4096x128xf32, #tpu.memory_space<hbm>> -> memref<1x128x128xf32, #tpu.memory_space<hbm>>
      %dma_wait3A_290 = tpu.memref_squeeze %dma_wait3A_289 : memref<1x128x128xf32, #tpu.memory_space<hbm>> -> memref<128x128xf32, #tpu.memory_space<hbm>>
      %dma_wait3A_291 = arith.constant 0 : i32
      %dma_wait3A_292 = tpu.memref_slice %arg4[%sub3A_287, %mul3A_2, %dma_wait3A_291] : memref<100x4096x128xf32, #tpu.memory_space<hbm>> -> memref<1x128x128xf32, #tpu.memory_space<hbm>>
      %dma_wait3A_293 = tpu.memref_squeeze %dma_wait3A_292 : memref<1x128x128xf32, #tpu.memory_space<hbm>> -> memref<128x128xf32, #tpu.memory_space<hbm>>
      tpu.wait_dma2 semaphore(%arg20 : memref<!tpu.dma_semaphore, #tpu.memory_space<semaphore_mem>>) src(%arg10 : memref<128x128xf32, #tpu.memory_space<vmem>>) dst(%dma_wait3A_293 : memref<128x128xf32, #tpu.memory_space<hbm>>)
      %dma_start3A_294 = arith.constant 0 : i32
      %dma_start3A_295 = tpu.memref_slice %arg5[%add3A_285, %dma_start3A_294] : memref<100x128xi32, #tpu.memory_space<vmem>> -> memref<1x128xi32, #tpu.memory_space<vmem>>
      %dma_start3A_296 = tpu.memref_squeeze %dma_start3A_295 : memref<1x128xi32, #tpu.memory_space<vmem>> -> memref<128xi32, #tpu.memory_space<vmem>>
      %dma_start3A_297 = arith.constant 0 : i32
      %dma_start3A_298 = arith.constant 0 : i32
      %dma_start3A_299 = tpu.memref_slice %arg3[%dma_start3A_297, %dma_start3A_298] : memref<100000x128xf32, #tpu.memory_space<hbm>> -> memref<100000x128xf32, #tpu.memory_space<hbm>>
      tpu.enqueue_indirect_dma source(%dma_start3A_299 : memref<100000x128xf32, #tpu.memory_space<hbm>>) target(%arg10 : memref<128x128xf32, #tpu.memory_space<vmem>>) offsets(%dma_start3A_296 : memref<128xi32, #tpu.memory_space<vmem>>) semaphore(%arg15 : memref<!tpu.dma_semaphore, #tpu.memory_space<semaphore_mem>>)
      %sub3A_300 = arith.constant 3 : i32
      %sub3A_301 = arith.subi %add3A_285, %sub3A_300 : i32
      %dma_wait3A_302 = arith.constant 0 : i32
      %dma_wait3A_303 = tpu.memref_slice %arg5[%sub3A_301, %dma_wait3A_302] : memref<100x128xi32, #tpu.memory_space<vmem>> -> memref<1x128xi32, #tpu.memory_space<vmem>>
      %dma_wait3A_304 = tpu.memref_squeeze %dma_wait3A_303 : memref<1x128xi32, #tpu.memory_space<vmem>> -> memref<128xi32, #tpu.memory_space<vmem>>
      %dma_wait3A_305 = arith.constant 0 : i32
      %dma_wait3A_306 = arith.constant 0 : i32
      %dma_wait3A_307 = tpu.memref_slice %arg3[%dma_wait3A_305, %dma_wait3A_306] : memref<100000x128xf32, #tpu.memory_space<hbm>> -> memref<100000x128xf32, #tpu.memory_space<hbm>>
      tpu.wait_indirect_dma semaphore(%arg12 : memref<!tpu.dma_semaphore, #tpu.memory_space<semaphore_mem>>) src(%dma_wait3A_307 : memref<100000x128xf32, #tpu.memory_space<hbm>>) dst(%arg7 : memref<128x128xf32, #tpu.memory_space<vmem>>)
      %sub3A_308 = arith.constant 3 : i32
      %sub3A_309 = arith.subi %add3A_285, %sub3A_308 : i32
      %dma_start3A_310 = arith.constant 0 : i32
      %dma_start3A_311 = tpu.memref_slice %arg4[%sub3A_309, %mul3A_2, %dma_start3A_310] : memref<100x4096x128xf32, #tpu.memory_space<hbm>> -> memref<1x128x128xf32, #tpu.memory_space<hbm>>
      %dma_start3A_312 = tpu.memref_squeeze %dma_start3A_311 : memref<1x128x128xf32, #tpu.memory_space<hbm>> -> memref<128x128xf32, #tpu.memory_space<hbm>>
      %dma_start3A_313 = arith.constant 0 : i32
      %dma_start3A_314 = tpu.memref_slice %arg4[%sub3A_309, %mul3A_2, %dma_start3A_313] : memref<100x4096x128xf32, #tpu.memory_space<hbm>> -> memref<1x128x128xf32, #tpu.memory_space<hbm>>
      %dma_start3A_315 = tpu.memref_squeeze %dma_start3A_314 : memref<1x128x128xf32, #tpu.memory_space<hbm>> -> memref<128x128xf32, #tpu.memory_space<hbm>>
      tpu.enqueue_dma source(%arg7 : memref<128x128xf32, #tpu.memory_space<vmem>>) target(%dma_start3A_315 : memref<128x128xf32, #tpu.memory_space<hbm>>) target_semaphore(%arg17 : memref<!tpu.dma_semaphore, #tpu.memory_space<semaphore_mem>>)
    }
    %scan3A_68 = arith.constant 19 : i32
    %dma_wait3A_69 = arith.constant 97 : i32
    %dma_wait3A_70 = arith.constant 0 : i32
    %dma_wait3A_71 = tpu.memref_slice %arg5[%dma_wait3A_69, %dma_wait3A_70] : memref<100x128xi32, #tpu.memory_space<vmem>> -> memref<1x128xi32, #tpu.memory_space<vmem>>
    %dma_wait3A_72 = tpu.memref_squeeze %dma_wait3A_71 : memref<1x128xi32, #tpu.memory_space<vmem>> -> memref<128xi32, #tpu.memory_space<vmem>>
    %dma_wait3A_73 = arith.constant 0 : i32
    %dma_wait3A_74 = arith.constant 0 : i32
    %dma_wait3A_75 = tpu.memref_slice %arg3[%dma_wait3A_73, %dma_wait3A_74] : memref<100000x128xf32, #tpu.memory_space<hbm>> -> memref<100000x128xf32, #tpu.memory_space<hbm>>
    tpu.wait_indirect_dma semaphore(%arg13 : memref<!tpu.dma_semaphore, #tpu.memory_space<semaphore_mem>>) src(%dma_wait3A_75 : memref<100000x128xf32, #tpu.memory_space<hbm>>) dst(%arg8 : memref<128x128xf32, #tpu.memory_space<vmem>>)
    %dma_start3A_76 = arith.constant 97 : i32
    %dma_start3A_77 = arith.constant 0 : i32
    %dma_start3A_78 = tpu.memref_slice %arg4[%dma_start3A_76, %mul3A_2, %dma_start3A_77] : memref<100x4096x128xf32, #tpu.memory_space<hbm>> -> memref<1x128x128xf32, #tpu.memory_space<hbm>>
    %dma_start3A_79 = tpu.memref_squeeze %dma_start3A_78 : memref<1x128x128xf32, #tpu.memory_space<hbm>> -> memref<128x128xf32, #tpu.memory_space<hbm>>
    %dma_start3A_80 = arith.constant 0 : i32
    %dma_start3A_81 = tpu.memref_slice %arg4[%dma_start3A_76, %mul3A_2, %dma_start3A_80] : memref<100x4096x128xf32, #tpu.memory_space<hbm>> -> memref<1x128x128xf32, #tpu.memory_space<hbm>>
    %dma_start3A_82 = tpu.memref_squeeze %dma_start3A_81 : memref<1x128x128xf32, #tpu.memory_space<hbm>> -> memref<128x128xf32, #tpu.memory_space<hbm>>
    tpu.enqueue_dma source(%arg8 : memref<128x128xf32, #tpu.memory_space<vmem>>) target(%dma_start3A_82 : memref<128x128xf32, #tpu.memory_space<hbm>>) target_semaphore(%arg18 : memref<!tpu.dma_semaphore, #tpu.memory_space<semaphore_mem>>)
    %dma_wait3A_83 = arith.constant 98 : i32
    %dma_wait3A_84 = arith.constant 0 : i32
    %dma_wait3A_85 = tpu.memref_slice %arg5[%dma_wait3A_83, %dma_wait3A_84] : memref<100x128xi32, #tpu.memory_space<vmem>> -> memref<1x128xi32, #tpu.memory_space<vmem>>
    %dma_wait3A_86 = tpu.memref_squeeze %dma_wait3A_85 : memref<1x128xi32, #tpu.memory_space<vmem>> -> memref<128xi32, #tpu.memory_space<vmem>>
    %dma_wait3A_87 = arith.constant 0 : i32
    %dma_wait3A_88 = arith.constant 0 : i32
    %dma_wait3A_89 = tpu.memref_slice %arg3[%dma_wait3A_87, %dma_wait3A_88] : memref<100000x128xf32, #tpu.memory_space<hbm>> -> memref<100000x128xf32, #tpu.memory_space<hbm>>
    tpu.wait_indirect_dma semaphore(%arg14 : memref<!tpu.dma_semaphore, #tpu.memory_space<semaphore_mem>>) src(%dma_wait3A_89 : memref<100000x128xf32, #tpu.memory_space<hbm>>) dst(%arg9 : memref<128x128xf32, #tpu.memory_space<vmem>>)
    %dma_start3A_90 = arith.constant 98 : i32
    %dma_start3A_91 = arith.constant 0 : i32
    %dma_start3A_92 = tpu.memref_slice %arg4[%dma_start3A_90, %mul3A_2, %dma_start3A_91] : memref<100x4096x128xf32, #tpu.memory_space<hbm>> -> memref<1x128x128xf32, #tpu.memory_space<hbm>>
    %dma_start3A_93 = tpu.memref_squeeze %dma_start3A_92 : memref<1x128x128xf32, #tpu.memory_space<hbm>> -> memref<128x128xf32, #tpu.memory_space<hbm>>
    %dma_start3A_94 = arith.constant 0 : i32
    %dma_start3A_95 = tpu.memref_slice %arg4[%dma_start3A_90, %mul3A_2, %dma_start3A_94] : memref<100x4096x128xf32, #tpu.memory_space<hbm>> -> memref<1x128x128xf32, #tpu.memory_space<hbm>>
    %dma_start3A_96 = tpu.memref_squeeze %dma_start3A_95 : memref<1x128x128xf32, #tpu.memory_space<hbm>> -> memref<128x128xf32, #tpu.memory_space<hbm>>
    tpu.enqueue_dma source(%arg9 : memref<128x128xf32, #tpu.memory_space<vmem>>) target(%dma_start3A_96 : memref<128x128xf32, #tpu.memory_space<hbm>>) target_semaphore(%arg19 : memref<!tpu.dma_semaphore, #tpu.memory_space<semaphore_mem>>)
    %dma_wait3A_97 = arith.constant 99 : i32
    %dma_wait3A_98 = arith.constant 0 : i32
    %dma_wait3A_99 = tpu.memref_slice %arg5[%dma_wait3A_97, %dma_wait3A_98] : memref<100x128xi32, #tpu.memory_space<vmem>> -> memref<1x128xi32, #tpu.memory_space<vmem>>
    %dma_wait3A_100 = tpu.memref_squeeze %dma_wait3A_99 : memref<1x128xi32, #tpu.memory_space<vmem>> -> memref<128xi32, #tpu.memory_space<vmem>>
    %dma_wait3A_101 = arith.constant 0 : i32
    %dma_wait3A_102 = arith.constant 0 : i32
    %dma_wait3A_103 = tpu.memref_slice %arg3[%dma_wait3A_101, %dma_wait3A_102] : memref<100000x128xf32, #tpu.memory_space<hbm>> -> memref<100000x128xf32, #tpu.memory_space<hbm>>
    tpu.wait_indirect_dma semaphore(%arg15 : memref<!tpu.dma_semaphore, #tpu.memory_space<semaphore_mem>>) src(%dma_wait3A_103 : memref<100000x128xf32, #tpu.memory_space<hbm>>) dst(%arg10 : memref<128x128xf32, #tpu.memory_space<vmem>>)
    %dma_start3A_104 = arith.constant 99 : i32
    %dma_start3A_105 = arith.constant 0 : i32
    %dma_start3A_106 = tpu.memref_slice %arg4[%dma_start3A_104, %mul3A_2, %dma_start3A_105] : memref<100x4096x128xf32, #tpu.memory_space<hbm>> -> memref<1x128x128xf32, #tpu.memory_space<hbm>>
    %dma_start3A_107 = tpu.memref_squeeze %dma_start3A_106 : memref<1x128x128xf32, #tpu.memory_space<hbm>> -> memref<128x128xf32, #tpu.memory_space<hbm>>
    %dma_start3A_108 = arith.constant 0 : i32
    %dma_start3A_109 = tpu.memref_slice %arg4[%dma_start3A_104, %mul3A_2, %dma_start3A_108] : memref<100x4096x128xf32, #tpu.memory_space<hbm>> -> memref<1x128x128xf32, #tpu.memory_space<hbm>>
    %dma_start3A_110 = tpu.memref_squeeze %dma_start3A_109 : memref<1x128x128xf32, #tpu.memory_space<hbm>> -> memref<128x128xf32, #tpu.memory_space<hbm>>
    tpu.enqueue_dma source(%arg10 : memref<128x128xf32, #tpu.memory_space<vmem>>) target(%dma_start3A_110 : memref<128x128xf32, #tpu.memory_space<hbm>>) target_semaphore(%arg20 : memref<!tpu.dma_semaphore, #tpu.memory_space<semaphore_mem>>)
    %dma_wait3A_111 = arith.constant 95 : i32
    %dma_wait3A_112 = arith.constant 0 : i32
    %dma_wait3A_113 = tpu.memref_slice %arg4[%dma_wait3A_111, %mul3A_2, %dma_wait3A_112] : memref<100x4096x128xf32, #tpu.memory_space<hbm>> -> memref<1x128x128xf32, #tpu.memory_space<hbm>>
    %dma_wait3A_114 = tpu.memref_squeeze %dma_wait3A_113 : memref<1x128x128xf32, #tpu.memory_space<hbm>> -> memref<128x128xf32, #tpu.memory_space<hbm>>
    %dma_wait3A_115 = arith.constant 0 : i32
    %dma_wait3A_116 = tpu.memref_slice %arg4[%dma_wait3A_111, %mul3A_2, %dma_wait3A_115] : memref<100x4096x128xf32, #tpu.memory_space<hbm>> -> memref<1x128x128xf32, #tpu.memory_space<hbm>>
    %dma_wait3A_117 = tpu.memref_squeeze %dma_wait3A_116 : memref<1x128x128xf32, #tpu.memory_space<hbm>> -> memref<128x128xf32, #tpu.memory_space<hbm>>
    tpu.wait_dma2 semaphore(%arg16 : memref<!tpu.dma_semaphore, #tpu.memory_space<semaphore_mem>>) src(%arg6 : memref<128x128xf32, #tpu.memory_space<vmem>>) dst(%dma_wait3A_117 : memref<128x128xf32, #tpu.memory_space<hbm>>)
    %dma_wait3A_118 = arith.constant 96 : i32
    %dma_wait3A_119 = arith.constant 0 : i32
    %dma_wait3A_120 = tpu.memref_slice %arg4[%dma_wait3A_118, %mul3A_2, %dma_wait3A_119] : memref<100x4096x128xf32, #tpu.memory_space<hbm>> -> memref<1x128x128xf32, #tpu.memory_space<hbm>>
    %dma_wait3A_121 = tpu.memref_squeeze %dma_wait3A_120 : memref<1x128x128xf32, #tpu.memory_space<hbm>> -> memref<128x128xf32, #tpu.memory_space<hbm>>
    %dma_wait3A_122 = arith.constant 0 : i32
    %dma_wait3A_123 = tpu.memref_slice %arg4[%dma_wait3A_118, %mul3A_2, %dma_wait3A_122] : memref<100x4096x128xf32, #tpu.memory_space<hbm>> -> memref<1x128x128xf32, #tpu.memory_space<hbm>>
    %dma_wait3A_124 = tpu.memref_squeeze %dma_wait3A_123 : memref<1x128x128xf32, #tpu.memory_space<hbm>> -> memref<128x128xf32, #tpu.memory_space<hbm>>
    tpu.wait_dma2 semaphore(%arg17 : memref<!tpu.dma_semaphore, #tpu.memory_space<semaphore_mem>>) src(%arg7 : memref<128x128xf32, #tpu.memory_space<vmem>>) dst(%dma_wait3A_124 : memref<128x128xf32, #tpu.memory_space<hbm>>)
    %dma_wait3A_125 = arith.constant 97 : i32
    %dma_wait3A_126 = arith.constant 0 : i32
    %dma_wait3A_127 = tpu.memref_slice %arg4[%dma_wait3A_125, %mul3A_2, %dma_wait3A_126] : memref<100x4096x128xf32, #tpu.memory_space<hbm>> -> memref<1x128x128xf32, #tpu.memory_space<hbm>>
    %dma_wait3A_128 = tpu.memref_squeeze %dma_wait3A_127 : memref<1x128x128xf32, #tpu.memory_space<hbm>> -> memref<128x128xf32, #tpu.memory_space<hbm>>
    %dma_wait3A_129 = arith.constant 0 : i32
    %dma_wait3A_130 = tpu.memref_slice %arg4[%dma_wait3A_125, %mul3A_2, %dma_wait3A_129] : memref<100x4096x128xf32, #tpu.memory_space<hbm>> -> memref<1x128x128xf32, #tpu.memory_space<hbm>>
    %dma_wait3A_131 = tpu.memref_squeeze %dma_wait3A_130 : memref<1x128x128xf32, #tpu.memory_space<hbm>> -> memref<128x128xf32, #tpu.memory_space<hbm>>
    tpu.wait_dma2 semaphore(%arg18 : memref<!tpu.dma_semaphore, #tpu.memory_space<semaphore_mem>>) src(%arg8 : memref<128x128xf32, #tpu.memory_space<vmem>>) dst(%dma_wait3A_131 : memref<128x128xf32, #tpu.memory_space<hbm>>)
    %dma_wait3A_132 = arith.constant 98 : i32
    %dma_wait3A_133 = arith.constant 0 : i32
    %dma_wait3A_134 = tpu.memref_slice %arg4[%dma_wait3A_132, %mul3A_2, %dma_wait3A_133] : memref<100x4096x128xf32, #tpu.memory_space<hbm>> -> memref<1x128x128xf32, #tpu.memory_space<hbm>>
    %dma_wait3A_135 = tpu.memref_squeeze %dma_wait3A_134 : memref<1x128x128xf32, #tpu.memory_space<hbm>> -> memref<128x128xf32, #tpu.memory_space<hbm>>
    %dma_wait3A_136 = arith.constant 0 : i32
    %dma_wait3A_137 = tpu.memref_slice %arg4[%dma_wait3A_132, %mul3A_2, %dma_wait3A_136] : memref<100x4096x128xf32, #tpu.memory_space<hbm>> -> memref<1x128x128xf32, #tpu.memory_space<hbm>>
    %dma_wait3A_138 = tpu.memref_squeeze %dma_wait3A_137 : memref<1x128x128xf32, #tpu.memory_space<hbm>> -> memref<128x128xf32, #tpu.memory_space<hbm>>
    tpu.wait_dma2 semaphore(%arg19 : memref<!tpu.dma_semaphore, #tpu.memory_space<semaphore_mem>>) src(%arg9 : memref<128x128xf32, #tpu.memory_space<vmem>>) dst(%dma_wait3A_138 : memref<128x128xf32, #tpu.memory_space<hbm>>)
    %dma_wait3A_139 = arith.constant 99 : i32
    %dma_wait3A_140 = arith.constant 0 : i32
    %dma_wait3A_141 = tpu.memref_slice %arg4[%dma_wait3A_139, %mul3A_2, %dma_wait3A_140] : memref<100x4096x128xf32, #tpu.memory_space<hbm>> -> memref<1x128x128xf32, #tpu.memory_space<hbm>>
    %dma_wait3A_142 = tpu.memref_squeeze %dma_wait3A_141 : memref<1x128x128xf32, #tpu.memory_space<hbm>> -> memref<128x128xf32, #tpu.memory_space<hbm>>
    %dma_wait3A_143 = arith.constant 0 : i32
    %dma_wait3A_144 = tpu.memref_slice %arg4[%dma_wait3A_139, %mul3A_2, %dma_wait3A_143] : memref<100x4096x128xf32, #tpu.memory_space<hbm>> -> memref<1x128x128xf32, #tpu.memory_space<hbm>>
    %dma_wait3A_145 = tpu.memref_squeeze %dma_wait3A_144 : memref<1x128x128xf32, #tpu.memory_space<hbm>> -> memref<128x128xf32, #tpu.memory_space<hbm>>
    tpu.wait_dma2 semaphore(%arg20 : memref<!tpu.dma_semaphore, #tpu.memory_space<semaphore_mem>>) src(%arg10 : memref<128x128xf32, #tpu.memory_space<vmem>>) dst(%dma_wait3A_145 : memref<128x128xf32, #tpu.memory_space<hbm>>)
    return
  }
}

</mosaic_0001>

<sc_bundles>
// kernel: _gather_rows.3.cloned.1.call-start
scs
__scs_entry_jumppad:
0x0: {  	(pc) =	sbr.rel $0x88, $3  }
0x1: {  	(tag) =	ssettag $0x0;
	lr =	simm.s32 $0x1  }
0x2: {  	[smem:$0x3F9F] =	sst lr;
	_ =	strace $0xD0000000  }
0x3: {  	_ = 	snop  }
0x4: {  	_ = 	snop  }
0x5: {  	_ = 	snop  }
0x6: {  	_ = 	snop  }
0x7: {  	_ = 	snop  }
__scs_overlays_trampoline_lowered:
0x8: {  	[smem:$0x3FAE] =	sst s0  }
0x9: {  	[smem:$0x3FAF] =	sst s1  }
0xa: {  	[smem:$0x3FB0] =	sst s2  }
0xb: {  	[smem:$0x3FB1] =	sst s3  }
0xc: {  	[smem:$0x3FB2] =	sst s4  }
0xd: {  	[smem:$0x3FB3] =	sst s5  }
0xe: {  	[smem:$0x3FB4] =	sst s6  }
0xf: {  	[smem:$0x3FB5] =	sst s7  }
0x10: {  	[smem:$0x3FB6] =	sst s8  }
0x11: {  	[smem:$0x3FB7] =	sst s9;
	s0 =	simm.s32 @!p0 $0x0  }
0x12: {  	s1 =	sld [smem:$0x3F9D];
	s0 =	simm.s32 @p0 $0x1  }
0x13: {  	[smem:$0x3FB8] =	sst s0;
	s0 =	simm.s32 @!p1 $0x0  }
0x14: {  	s2 =	sld [smem:$0x3F9C];
	s0 =	simm.s32 @p1 $0x1  }
0x15: {  	[smem:$0x3FB9] =	sst s0;
	s0 =	simm.s32 @!p2 $0x0  }
0x16: {  	s3 =	sld [smem:$0x3FDB];
	s0 =	simm.s32 @p2 $0x1  }
0x17: {  	s4 =	simm.s32 $0x1BF5;
	[smem:$0x3FBB] =	sst s0  }
0x18: {  	s0 =	sld [smem:$0x3F9E];
	_ =	swait.ge [sflag:s4], $0x0  }
0x19: {  	s7 =	sld [smem:$0x3F9F]  }
0x1a: {  	s8 =	sadd.s32 $0xFFFFE003, lr  }
0x1b: {  	s9 =	sadd.s32 $0xFFFFFEF7, lr;
	s5 =	simm.s32 $0xFFFFFFFF;
	p2 =	slt.u32 s8, $0xFFFFF086  }
0x1c: {  	p1 =	slt.u32 s9, $0xF7A;
	s5 =	simm.s32 @!p2 $0x0  }
0x1d: {  	s5 =	simm.s32 @p1 $0x1;
	p0 =	seq.s32 s7, s2  }
0x1e: {  	s7 =	smul.u32 @!p0 $0xF7A, s2;
	p2 =	seq.s32 @!p0 s5, $0x0  }
0x1f: {  	s9 =	smul.u32 $0xF7A, s1;
	s8 =	simm.s32 @!p0 $0x1BF5;
	p2 =	por !p2, p0  }
0x20: {  	[sflag:s8] =	ssyncset.s32 @!p0 $0xFFFFF086;
	s6 =	sadd.s32 @!p0 s3, s7;
	s7 =	simm.s32 @!p0 $0x108  }
0x21: {  	s3 =	sadd.s32 s3, s9;
	s6 =	sadd.s32 @!p0 $0x88, s6;
	s7 =	simm.s32 @p2 $0x1082  }
0x22: {  	[simem:s7], [sflag:s8] =	dma.local @!p0 [hbm:s6], $0xF7A  }
0x23: {  	s9 =	sor.u32 $0xD0000000, s2;
	s6 =	simm.s32 $0x108;
	_ =	swait.ge @!p0 [sflag:s8], $0x0  }
0x24: {  	s3 =	sadd.s32 $0x88, s3;
	s6 =	simm.s32 @!p1 $0x1082;
	[sflag:s4] =	ssyncset.s32 $0xFFFFF086  }
0x25: {  	[simem:s6], [sflag:s4] =	dma.local [hbm:s3], $0xF7A  }
0x26: {  	[smem:$0x3F9F] =	sst s1;
	(tag) =	ssettag s2;
	_ =	strace s9  }
0x27: {  	s1 =	sld [smem:$0x3FAF]  }
0x28: {  	s2 =	sld [smem:$0x3FB0]  }
0x29: {  	s4 =	sld [smem:$0x3FB2]  }
0x2a: {  	p0 =	seq.s32 s5, $0x0;
	s5 =	sld [smem:$0x3FB3]  }
0x2b: {  	s6 =	sld [smem:$0x3FB4]  }
0x2c: {  	s7 =	sld [smem:$0x3FB5]  }
0x2d: {  	s3 =	simm.s32 $0x108;
	s8 =	sld [smem:$0x3FB6]  }
0x2e: {  	s3 =	simm.s32 @!p0 $0x1082;
	s9 =	sld [smem:$0x3FB7]  }
0x2f: {  	lr =	sadd.s32 s0, s3;
	s0 =	sld [smem:$0x3FAE]  }
0x30: {  	s3 =	sld [smem:$0x3FB1]  }
0x31: {  	[smem:$0x3FBA] =	sst s10  }
0x32: {  	s10 =	sld [smem:$0x3FB8];
	_ =	sdelay $0x3  }
0x33: {  	p0 =	seq.s32 s10, $0x1;
	s10 =	sld [smem:$0x3FBA];
	_ =	sdelay $0x3  }
0x34: {  	[smem:$0x3FBA] =	sst s10  }
0x35: {  	s10 =	sld [smem:$0x3FB9];
	_ =	sdelay $0x3  }
0x36: {  	p1 =	seq.s32 s10, $0x1;
	s10 =	sld [smem:$0x3FBA];
	_ =	sdelay $0x3  }
0x37: {  	[smem:$0x3FBA] =	sst s10  }
0x38: {  	s10 =	sld [smem:$0x3FBB]  }
0x39: {  	_ = 	snop;
	(pc) =	sbr.ind lr, $3  }
0x3a: {  	_ = 	snop  }
0x3b: {  	_ = 	snop  }
0x3c: {  	p2 =	seq.s32 s10, $0x1;
	s10 =	sld [smem:$0x3FBA]  }
0x3d: {  	_ =	shalt  }
0x3e: {  	_ =	shalt  }
0x3f: {  	_ =	shalt  }
0x40: {  	_ =	shalt  }
0x41: {  	_ =	shalt  }
0x42: {  	_ =	shalt  }
0x43: {  	_ =	shalt  }
0x44: {  	_ =	shalt  }
0x45: {  	_ =	shalt  }
0x46: {  	_ =	shalt  }
0x47: {  	_ =	shalt  }
0x48: {  	_ =	shalt  }
0x49: {  	_ =	shalt  }
0x4a: {  	_ =	shalt  }
0x4b: {  	_ =	shalt  }
0x4c: {  	_ =	shalt  }
0x4d: {  	_ =	shalt  }
0x4e: {  	_ =	shalt  }
0x4f: {  	_ =	shalt  }
0x50: {  	_ =	shalt  }
0x51: {  	_ =	shalt  }
0x52: {  	_ =	shalt  }
0x53: {  	_ =	shalt  }
0x54: {  	_ =	shalt  }
0x55: {  	_ =	shalt  }
0x56: {  	_ =	shalt  }
0x57: {  	_ =	shalt  }
0x58: {  	_ =	shalt  }
0x59: {  	_ =	shalt  }
0x5a: {  	_ =	shalt  }
0x5b: {  	_ =	shalt  }
0x5c: {  	_ =	shalt  }
0x5d: {  	_ =	shalt  }
0x5e: {  	_ =	shalt  }
0x5f: {  	_ =	shalt  }
0x60: {  	_ =	shalt  }
0x61: {  	_ =	shalt  }
0x62: {  	_ =	shalt  }
0x63: {  	_ =	shalt  }
0x64: {  	_ =	shalt  }
0x65: {  	_ =	shalt  }
0x66: {  	_ =	shalt  }
0x67: {  	_ =	shalt  }
0x68: {  	_ =	shalt  }
0x69: {  	_ =	shalt  }
0x6a: {  	_ =	shalt  }
0x6b: {  	_ =	shalt  }
0x6c: {  	_ =	shalt  }
0x6d: {  	_ =	shalt  }
0x6e: {  	_ =	shalt  }
0x6f: {  	_ =	shalt  }
0x70: {  	_ =	shalt  }
0x71: {  	_ =	shalt  }
0x72: {  	_ =	shalt  }
0x73: {  	_ =	shalt  }
0x74: {  	_ =	shalt  }
0x75: {  	_ =	shalt  }
0x76: {  	_ =	shalt  }
0x77: {  	_ =	shalt  }
0x78: {  	_ =	shalt  }
0x79: {  	_ =	shalt  }
0x7a: {  	_ =	shalt  }
0x7b: {  	_ =	shalt  }
0x7c: {  	_ =	shalt  }
0x7d: {  	_ =	shalt  }
0x7e: {  	_ =	shalt  }
0x7f: {  	_ =	shalt  }
0x80: {  	_ =	shalt  }
0x81: {  	_ =	shalt  }
0x82: {  	_ =	shalt  }
0x83: {  	_ =	shalt  }
0x84: {  	_ =	shalt  }
0x85: {  	_ =	shalt  }
0x86: {  	_ =	shalt  }
0x87: {  	_ =	shalt  }
.Lfunc_end0:
.L_simem_size_0:
called_computation_lowered:
.L_overlay_start_0:
0x88: {  	s2 =	sld [smem:$0x3FD9]  }
0x89: {  	s3 =	sld [smem:$0x3FFE];
	_ =	sdelay $0x1  }
0x8a: {  	s1 =	srdreg.scid  }
0x8b: {  	s0 =	sand.u32 $0x1, s1  }
0x8c: {  	s18 =	sshll.u32 s0, $0xA;
	s2 =	sadd.s32 s3, s2  }
0x8d: {  	s2 =	sadd.s32 s2, s18  }
0x8e: {  	[smem:$0x3FC6] =	sst s2  }
0x8f: {  	_ = 	snop  }
0x90: {  	s2 =	sld [smem:$0x3FC9]  }
0x91: {  	s19 =	sld [smem:$0x3FC8]  }
0x92: {  	s4 =	sld [smem:$0x3FD0];
	(tm) =	ssettm $0x1  }
0x93: {  	s5 =	sld [smem:$0x3FFB];
	_ =	sdelay $0x3  }
0x94: {  	_ =	strace s5  }
0x95: {  	s5 =	sld [smem:$0x3FFC];
	_ =	sdelay $0x3  }
0x96: {  	_ =	strace s5  }
0x97: {  	s5 =	sld [smem:$0x3FFD];
	_ =	sdelay $0x3  }
0x98: {  	_ =	strace s5  }
0x99: {  	_ =	strace $0x8FFFFFFF  }
0x9a: {  	s20 =	sld [smem:$0x3FDB];
	_ =	sdelay $0x1  }
0x9b: {  	s6 =	simm.s32 $_scs_section_size  }
0x9c: {  	s7 =	simm.s32 $_size__tile_overlayer_lowered;
	s8 =	simm.s32 $_tile_overlayer_lowered  }
0x9d: {  	s23 =	simm.s32 $0x1BFF;
	s22 =	sshll.u32 s8, $0x1;
	s5 =	sadd.s32 s6, s20  }
0x9e: {  	s9 =	simm.s32 $0x0;
	s21 =	sshll.u32 s7, $0x1;
	s7 =	sadd.s32 s22, s5  }
0x9f: {  	[timem:s9], [sflag:s23] =	dma.local [hbm:s7], s21  }
0xa0: {  	_ =	swait.ge [sflag:s23], s21  }
0xa1: {  	s6 =	ssub.s32 $0x0, s21;
	[sflag:s23] =	ssyncset.done $0x0  }
0xa2: {  	[sflag:s23] =	ssyncadd.s32 s6;
	_ =	sdelay $0x1  }
0xa3: {  	s24 =	simm.s32 $0x1B8B  }
0xa4: {  	_ =	swait.ge [sflag:s24], $0x1  }
0xa5: {  	[sflag:s24] =	ssyncset.done $0x0  }
0xa6: {  	s25 =	simm.s32 $0x1B8E;
	[sflag:s24] =	ssyncadd.s32 $0xFFFFFFFF  }
0xa7: {  	s26 =	simm.s32 $execute0_lowered;
	[smem:$0x3FD2] =	sst s25  }
0xa8: {  	s6 =	sshll.u32 s26, $0x1;
	_ =	strace $0x80000046;
	[dreg:$0x1] =	wrdreg $0xFFFFFFFF  }
0xa9: {  	s28 =	simm.s32 $_size_execute0_lowered;
	s5 =	sadd.s32 s5, s6;
	[dreg:$0x0] =	wrdreg $0x0  }
0xaa: {  	s6 =	sshll.u32 s28, $0x1;
	[dreg:$0x2] =	wrdreg s5  }
0xab: {  	[dreg:$0x3] =	wrdreg s6  }
0xac: {  	[dreg:$0x4] =	wrdreg $0xC0  }
0xad: {  	_ =	task [dreg:s9], $0x5FFFF  }
0xae: {  	[dreg:$0x1] =	wrdreg $0xFFFFFFFF  }
0xaf: {  	[dreg:$0x0] =	wrdreg $0x60  }
0xb0: {  	[dreg:$0x2] =	wrdreg s2  }
0xb1: {  	[dreg:$0x3] =	wrdreg s19  }
0xb2: {  	[dreg:$0x4] =	wrdreg s4  }
0xb3: {  	[dreg:$0x5] =	wrdreg $0x9  }
0xb4: {  	_ =	task.clear_ibuf [dreg:s9], $0x6FFFF;
	_ =	strace $0x90000046  }
0xb5: {  	s29 =	simm.s32 $0x9;
	_ =	strace $0x80000048  }
0xb6: {  	_ =	swait.ge [sflag:s29], $0x1  }
0xb7: {  	[sflag:s29] =	ssyncadd.s32 $0xFFFFFFFF  }
0xb8: {  	_ =	strace $0x90000048  }
0xb9: {  	_ =	sfence  }
0xba: {  	s30 =	sld [smem:$0x0];
	_ =	sdelay $0x2  }
0xbb: {  	s31 =	sshll.u32 s1, $0xD;
	s1 =	sshrl.u32 s1, $0x2  }
0xbc: {  	s3 =	sand.u32 $0x4000, s31;
	s1 =	sadd.s32 s1, s30  }
0xbd: {  	s0 =	sor.u32 s3, s0;
	s1 =	sshll.u32 s1, $0x11  }
0xbe: {  	s0 =	sor.u32 s1, s0  }
0xbf: {  	s0 =	sadd.s32 $0x8F2B, s0  }
0xc0: {  	[sflag:s0] =	ssyncadd.remote.s32 $0x1  }
0xc1: {  	_ =	sfence.sel $0xFFFF  }
0xc2: {  	[dreg:$0x0] =	wrdreg $0xFFFFFFFF;
	(pc) =	sbr.abs _section_cstart, $3  }
0xc3: {  	[dreg:$0x1] =	wrdreg $0xFFFFFFFF  }
0xc4: {  	_ =	task.clear_ibuf [dreg:s9], $0x2FFFF;
	_ =	strace $0x9FFFFFFF  }
0xc5: {  	(tm) =	ssettm $0x7FFFFFFF  }
tec
execute0_lowered:
.L_overlay_start_1:
0x0: {  	(tag) =	ssettag $0x1  }
0x1: {  	s0 =	rddreg [dreg:$0x0]  }
0x2: {  	s1 =	rddreg [dreg:$0x1]  }
0x3: {  	s3 =	rddreg [dreg:$0x2];
	s2 =	srdreg.scid;
	s4 =	simm.s32 $0x0  }
0x4: {  	s9 =	stileid.u32;
	s28 =	simm.s32 $0x1;
	s30 =	simm.s32 $0xF400  }
0x5: {  	s31 =	simm.s32 $0x2;
	s29 =	simm.s32 $0x8;
	s2 =	sand.u32 $0x1, s2  }
0x6: {  	s6 =	sshll.u32 s9, $0x8;
	[smem:$0x7FF] =	sst s4;
	s14 =	sshll.u32 s9, $0xF  }
0x7: {  	s9 =	simm.s32 $0x0;
	s5 =	ssub.s32 $0x2, s2;
	s7 =	sshll.u32 s2, $0x7  }
0x8: {  	_ =	strace $0x80000047;
	s2 =	sshll.u32 s2, $0xE;
	s8 =	sshrl.u32 s5, $0x1  }
0x9: {  	s6 =	sor.u32 s7, s6;
	s16 =	sor.u32 s2, s14;
	s5 =	ssub.s32 s5, s8  }
0xa: {  	s7 =	sadd.s32 s0, s6;
	s13 =	sshll.u32 s6, $0x4;
	s19 =	sor.u32 $0x200000, s16  }
0xb: {  	s22 =	sor.u32 $0x180000, s16;
	s23 =	sor.u32 $0x100000, s16;
	s24 =	sor.u32 $0x300000, s16  }
0xc: {  	s16 =	sor.u32 $0x280000, s16;
	s0 =	simm.s32 $0x5;
	s6 =	simm.s32 $0x9  }
0xd: {  	s8 =	simm.s32 $0xA;
	[dreg:$0x4] =	wrdreg s7;
	s7 =	sadd.s32 $0xC000, s7  }
0xe: {  	s15 =	sadd.s32 s3, s13;
	s2 =	sshrl.u32 s19, $0x3;
	[dreg:$0x5] =	wrdreg s7  }
0xf: {  	s5 =	smax.u32 s5, $0x1;
	s25 =	sshrl.u32 s23, $0x3;
	[dreg:$0x6] =	wrdreg s15  }
0x10: {  	s26 =	sshrl.u32 s24, $0x3;
	s17 =	sadd.s32 $0x10000, s15;
	[dreg:$0xb] =	wrdreg s5  }
0x11: {  	s23 =	simm.s32 $0x3400;
	s18 =	sadd.s32 $0x610000, s15;
	[dreg:$0x7] =	wrdreg s17  }
0x12: {  	s24 =	simm.s32 $0x7400;
	s20 =	sadd.s32 $0x620000, s15;
	[dreg:$0x8] =	wrdreg s18  }
0x13: {  	s19 =	simm.s32 $0x3;
	s21 =	sadd.s32 $0x630000, s15;
	[dreg:$0x9] =	wrdreg s20  }
0x14: {  	s2 =	sadd.s32 s2, s3;
	s13 =	sadd.s32 s26, s3;
	[dreg:$0xa] =	wrdreg s21  }
0x15: {  	s26 =	simm.s32 $0xB400;
	[dreg:$0xc] =	wrdreg s2;
	s2 =	sshrl.u32 s22, $0x3  }
0x16: {  	s22 =	simm.s32 $0x80;
	s18 =	simm.s32 $0x6;
	s2 =	sadd.s32 s2, s3  }
0x17: {  	s20 =	simm.s32 $0x7;
	[dreg:$0xd] =	wrdreg s2;
	s2 =	sadd.s32 s25, s3  }
0x18: {  	s25 =	simm.s32 $0x4;
	[dreg:$0xe] =	wrdreg s2;
	s2 =	simm.s32 $0x13400  }
.LBB2_1:
0x19: {  	s5 =	rddreg [dreg:$0x4];
	s7 =	simm.s32 $0x400;
	s10 =	simm.s32 $0x8000  }
0x1a: {  	[tilespmem:s4], [sflag:$0xB] =	stream.strided.gather [hbm4b:s5+s7], $0x3000, s10, s7, $0x38;
	[tilespmem:$0x17400] =	vst v63  }
0x1b: {  	s11 =	simm.s32 $0xB;
	s7 =	rddreg [dreg:$0x5];
	s10 =	simm.s32 $0x3000  }
0x1c: {  	[tilespmem:s10], [sflag:$0xB] =	stream.linear.gather [hbm4b:s7+s4], $0x200, $0x38;
	[tilespmem:$0x17400] =	vst v63  }
0x1d: {  	_ =	swait.ge [sflag:s11], $0x3200  }
0x1e: {  	[sflag:s11] =	ssyncset.done $0x0  }
0x1f: {  	[sflag:s11] =	ssyncadd.s32 $0xFFFFCE00  }
0x20: {  	[tilespmem:s23], [sflag:$0x1] =	stream.indirect.gather [hbm4b:s1+s22], $0x80, s4, s22, $0xb8;
	[tilespmem:$0x17400] =	vst v63  }
0x21: {  	_ = 	snop  }
0x22: {  	[tilespmem:s24], [sflag:$0x2] =	stream.indirect.gather [hbm4b:s1+s22], $0x80, s22, s22, $0xb8;
	[tilespmem:$0x17400] =	vst v63  }
0x23: {  	s12 =	simm.s32 $0x100  }
0x24: {  	[tilespmem:s26], [sflag:$0x3] =	stream.indirect.gather [hbm4b:s1+s22], $0x80, s12, s22, $0xb8;
	[tilespmem:$0x17400] =	vst v63  }
0x25: {  	_ =	swait.ge [sflag:s28], $0x4000  }
0x26: {  	[sflag:s28] =	ssyncset.done $0x0  }
0x27: {  	s14 =	rddreg [dreg:$0x6];
	[sflag:s28] =	ssyncadd.s32 $0xFFFFC000  }
0x28: {  	[hbm4b:s14+s4] =	stream.linear.scatter [tilespmem:s23], [sflag:$0x6], $0x4000, $0x38;
	[tilespmem:$0x17400] =	vst v63  }
0x29: {  	s15 =	simm.s32 $0x180  }
0x2a: {  	[tilespmem:s30], [sflag:$0x4] =	stream.indirect.gather [hbm4b:s1+s22], $0x80, s15, s22, $0xb8;
	[tilespmem:$0x17400] =	vst v63  }
0x2b: {  	_ =	swait.ge [sflag:s31], $0x4000  }
0x2c: {  	[sflag:s31] =	ssyncset.done $0x0  }
0x2d: {  	s17 =	rddreg [dreg:$0x7];
	[sflag:s31] =	ssyncadd.s32 $0xFFFFC000  }
0x2e: {  	[hbm4b:s17+s4] =	stream.linear.scatter [tilespmem:s24], [sflag:$0x7], $0x4000, $0x38;
	[tilespmem:$0x17400] =	vst v63  }
0x2f: {  	s21 =	simm.s32 $0x200  }
0x30: {  	[tilespmem:s2], [sflag:$0x5] =	stream.indirect.gather [hbm4b:s1+s22], $0x80, s21, s22, $0xb8;
	[tilespmem:$0x17400] =	vst v63  }
0x31: {  	_ =	swait.ge [sflag:s18], $0x4000  }
0x32: {  	[sflag:s18] =	ssyncset.done $0x0  }
0x33: {  	s7 =	simm.s32 $0x280;
	[sflag:s18] =	ssyncadd.s32 $0xFFFFC000  }
0x34: {  	[tilespmem:s23], [sflag:$0x1] =	stream.indirect.gather [hbm4b:s1+s22], $0x80, s7, s22, $0xb8;
	[tilespmem:$0x17400] =	vst v63  }
0x35: {  	_ =	swait.ge [sflag:s19], $0x4000  }
0x36: {  	[sflag:s19] =	ssyncset.done $0x0  }
0x37: {  	s11 =	rddreg [dreg:$0xe];
	[sflag:s19] =	ssyncadd.s32 $0xFFFFC000  }
0x38: {  	[hbm4b:s11+s4] =	stream.linear.scatter [tilespmem:s26], [sflag:$0x8], $0x4000, $0x38;
	[tilespmem:$0x17400] =	vst v63  }
0x39: {  	_ =	swait.ge [sflag:s20], $0x4000  }
0x3a: {  	[sflag:s20] =	ssyncset.done $0x0  }
0x3b: {  	s10 =	simm.s32 $0x300;
	[sflag:s20] =	ssyncadd.s32 $0xFFFFC000  }
0x3c: {  	[tilespmem:s24], [sflag:$0x2] =	stream.indirect.gather [hbm4b:s1+s22], $0x80, s10, s22, $0xb8;
	[tilespmem:$0x17400] =	vst v63  }
0x3d: {  	_ =	swait.ge [sflag:s25], $0x4000  }
0x3e: {  	[sflag:s25] =	ssyncset.done $0x0  }
0x3f: {  	s14 =	rddreg [dreg:$0xd];
	[sflag:s25] =	ssyncadd.s32 $0xFFFFC000  }
0x40: {  	[hbm4b:s14+s4] =	stream.linear.scatter [tilespmem:s30], [sflag:$0x9], $0x4000, $0x38;
	[tilespmem:$0x17400] =	vst v63  }
0x41: {  	_ =	swait.ge [sflag:s29], $0x4000  }
0x42: {  	[sflag:s29] =	ssyncset.done $0x0  }
0x43: {  	s12 =	simm.s32 $0x380;
	[sflag:s29] =	ssyncadd.s32 $0xFFFFC000  }
0x44: {  	[tilespmem:s26], [sflag:$0x3] =	stream.indirect.gather [hbm4b:s1+s22], $0x80, s12, s22, $0xb8;
	[tilespmem:$0x17400] =	vst v63  }
0x45: {  	_ =	swait.ge [sflag:s0], $0x4000  }
0x46: {  	[sflag:s0] =	ssyncset.done $0x0  }
0x47: {  	s7 =	rddreg [dreg:$0xc];
	[sflag:s0] =	ssyncadd.s32 $0xFFFFC000  }
0x48: {  	[hbm4b:s7+s4] =	stream.linear.scatter [tilespmem:s2], [sflag:$0xA], $0x4000, $0x38;
	[tilespmem:$0x17400] =	vst v63  }
0x49: {  	_ =	swait.ge [sflag:s6], $0x4000  }
0x4a: {  	[sflag:s6] =	ssyncset.done $0x0  }
0x4b: {  	s15 =	simm.s32 $0x400;
	[sflag:s6] =	ssyncadd.s32 $0xFFFFC000  }
0x4c: {  	[tilespmem:s30], [sflag:$0x4] =	stream.indirect.gather [hbm4b:s1+s22], $0x80, s15, s22, $0xb8;
	[tilespmem:$0x17400] =	vst v63  }
0x4d: {  	_ =	swait.ge [sflag:s28], $0x4000  }
0x4e: {  	s17 =	sshrl.u32 s16, $0x3;
	[sflag:s28] =	ssyncset.done $0x0  }
0x4f: {  	s5 =	sadd.s32 s3, s17;
	[sflag:s28] =	ssyncadd.s32 $0xFFFFC000  }
0x50: {  	[hbm4b:s5+s4] =	stream.linear.scatter [tilespmem:s23], [sflag:$0x6], $0x4000, $0x38;
	[tilespmem:$0x17400] =	vst v63  }
0x51: {  	_ =	swait.ge [sflag:s8], $0x4000  }
0x52: {  	[sflag:s8] =	ssyncset.done $0x0  }
0x53: {  	s17 =	smov.u32 s13;
	s21 =	simm.s32 $0x480;
	[sflag:s8] =	ssyncadd.s32 $0xFFFFC000  }
0x54: {  	[tilespmem:s2], [sflag:$0x5] =	stream.indirect.gather [hbm4b:s1+s22], $0x80, s21, s22, $0xb8;
	[tilespmem:$0x17400] =	vst v63  }
0x55: {  	s11 =	sadd.s32 $0x50000, s11;
	s10 =	sadd.s32 $0x50000, s13;
	_ =	swait.ge [sflag:s31], $0x4000  }
0x56: {  	s12 =	sadd.s32 $0x280000, s16;
	s7 =	sadd.s32 $0x50000, s7;
	[sflag:s31] =	ssyncset.done $0x0  }
0x57: {  	s5 =	simm.s32 $0xA00;
	s21 =	sadd.s32 $0x50000, s14;
	[sflag:s31] =	ssyncadd.s32 $0xFFFFC000  }
.LBB2_2:
0x58: {  	[hbm4b:s17+s4] =	stream.linear.scatter [tilespmem:s24], [sflag:$0x7], $0x4000, $0x38;
	[tilespmem:$0x17400] =	vst v63  }
0x59: {  	s14 =	smov.u32 s5;
	s17 =	smov.u32 s10  }
0x5a: {  	p0 =	sne.s32 s5, $0xB400;
	s5 =	sadd.s32 $0xA00, s5;
	_ =	swait.ge [sflag:s18], $0x4000  }
0x5b: {  	s14 =	sshra.s32 s14, $0x2;
	[sflag:s18] =	ssyncset.done $0x0  }
0x5c: {  	s15 =	sadd.s32 $0x280, s14;
	[sflag:s18] =	ssyncadd.s32 $0xFFFFC000  }
0x5d: {  	[tilespmem:s23], [sflag:$0x1] =	stream.indirect.gather [hbm4b:s1+s22], $0x80, s15, s22, $0xb8;
	[tilespmem:$0x17400] =	vst v63  }
0x5e: {  	_ =	swait.ge [sflag:s19], $0x4000  }
0x5f: {  	[sflag:s19] =	ssyncset.done $0x0  }
0x60: {  	[sflag:s19] =	ssyncadd.s32 $0xFFFFC000  }
0x61: {  	[hbm4b:s11+s4] =	stream.linear.scatter [tilespmem:s26], [sflag:$0x8], $0x4000, $0x38;
	[tilespmem:$0x17400] =	vst v63  }
0x62: {  	_ =	swait.ge [sflag:s20], $0x4000  }
0x63: {  	[sflag:s20] =	ssyncset.done $0x0  }
0x64: {  	s15 =	sadd.s32 $0x300, s14;
	[sflag:s20] =	ssyncadd.s32 $0xFFFFC000  }
0x65: {  	[tilespmem:s24], [sflag:$0x2] =	stream.indirect.gather [hbm4b:s1+s22], $0x80, s15, s22, $0xb8;
	[tilespmem:$0x17400] =	vst v63  }
0x66: {  	_ =	swait.ge [sflag:s25], $0x4000  }
0x67: {  	[sflag:s25] =	ssyncset.done $0x0  }
0x68: {  	[sflag:s25] =	ssyncadd.s32 $0xFFFFC000  }
0x69: {  	[hbm4b:s21+s4] =	stream.linear.scatter [tilespmem:s30], [sflag:$0x9], $0x4000, $0x38;
	[tilespmem:$0x17400] =	vst v63  }
0x6a: {  	_ =	swait.ge [sflag:s29], $0x4000  }
0x6b: {  	[sflag:s29] =	ssyncset.done $0x0  }
0x6c: {  	s15 =	sadd.s32 $0x380, s14;
	[sflag:s29] =	ssyncadd.s32 $0xFFFFC000  }
0x6d: {  	[tilespmem:s26], [sflag:$0x3] =	stream.indirect.gather [hbm4b:s1+s22], $0x80, s15, s22, $0xb8;
	[tilespmem:$0x17400] =	vst v63  }
0x6e: {  	_ =	swait.ge [sflag:s0], $0x4000  }
0x6f: {  	[sflag:s0] =	ssyncset.done $0x0  }
0x70: {  	[sflag:s0] =	ssyncadd.s32 $0xFFFFC000  }
0x71: {  	[hbm4b:s7+s4] =	stream.linear.scatter [tilespmem:s2], [sflag:$0xA], $0x4000, $0x38;
	[tilespmem:$0x17400] =	vst v63  }
0x72: {  	_ =	swait.ge [sflag:s6], $0x4000  }
0x73: {  	[sflag:s6] =	ssyncset.done $0x0  }
0x74: {  	s15 =	sadd.s32 $0x400, s14;
	[sflag:s6] =	ssyncadd.s32 $0xFFFFC000  }
0x75: {  	[tilespmem:s30], [sflag:$0x4] =	stream.indirect.gather [hbm4b:s1+s22], $0x80, s15, s22, $0xb8;
	[tilespmem:$0x17400] =	vst v63  }
0x76: {  	_ =	swait.ge [sflag:s28], $0x4000  }
0x77: {  	s15 =	sshrl.u32 s12, $0x3;
	[sflag:s28] =	ssyncset.done $0x0  }
0x78: {  	s15 =	sadd.s32 s3, s15;
	[sflag:s28] =	ssyncadd.s32 $0xFFFFC000  }
0x79: {  	[hbm4b:s15+s4] =	stream.linear.scatter [tilespmem:s23], [sflag:$0x6], $0x4000, $0x38;
	[tilespmem:$0x17400] =	vst v63  }
0x7a: {  	_ =	swait.ge [sflag:s8], $0x4000  }
0x7b: {  	[sflag:s8] =	ssyncset.done $0x0  }
.Ltmp0:
0x7c: {  	s14 =	sadd.s32 $0x480, s14;
	[sflag:s8] =	ssyncadd.s32 $0xFFFFC000;
	(pc) =	sbr.rel @p0 .LBB2_2-.Ltmp0, $4  }
0x7d: {  	[tilespmem:s2], [sflag:$0x5] =	stream.indirect.gather [hbm4b:s1+s22], $0x80, s14, s22, $0xb8;
	[tilespmem:$0x17400] =	vst v63  }
0x7e: {  	s10 =	sadd.s32 $0x50000, s10;
	_ =	swait.ge [sflag:s31], $0x4000  }
0x7f: {  	s11 =	sadd.s32 $0x50000, s11;
	s12 =	sadd.s32 $0x280000, s12;
	[sflag:s31] =	ssyncset.done $0x0  }
0x80: {  	s21 =	sadd.s32 $0x50000, s21;
	s7 =	sadd.s32 $0x50000, s7;
	[sflag:s31] =	ssyncadd.s32 $0xFFFFC000  }
0x81: {  	[hbm4b:s17+s4] =	stream.linear.scatter [tilespmem:s24], [sflag:$0x7], $0x4000, $0x38;
	[tilespmem:$0x17400] =	vst v63  }
0x82: {  	_ =	swait.ge [sflag:s19], $0x4000  }
0x83: {  	[sflag:s19] =	ssyncset.done $0x0  }
0x84: {  	s5 =	rddreg [dreg:$0x8];
	[sflag:s19] =	ssyncadd.s32 $0xFFFFC000  }
0x85: {  	[hbm4b:s5+s4] =	stream.linear.scatter [tilespmem:s26], [sflag:$0x8], $0x4000, $0x38;
	[tilespmem:$0x17400] =	vst v63  }
0x86: {  	_ =	swait.ge [sflag:s25], $0x4000  }
0x87: {  	[sflag:s25] =	ssyncset.done $0x0  }
0x88: {  	s15 =	rddreg [dreg:$0x9];
	[sflag:s25] =	ssyncadd.s32 $0xFFFFC000  }
0x89: {  	[hbm4b:s15+s4] =	stream.linear.scatter [tilespmem:s30], [sflag:$0x9], $0x4000, $0x38;
	[tilespmem:$0x17400] =	vst v63  }
0x8a: {  	_ =	swait.ge [sflag:s0], $0x4000  }
0x8b: {  	[sflag:s0] =	ssyncset.done $0x0  }
0x8c: {  	s17 =	rddreg [dreg:$0xa];
	[sflag:s0] =	ssyncadd.s32 $0xFFFFC000  }
0x8d: {  	[hbm4b:s17+s4] =	stream.linear.scatter [tilespmem:s2], [sflag:$0xA], $0x4000, $0x38;
	[tilespmem:$0x17400] =	vst v63  }
0x8e: {  	_ =	swait.ge [sflag:s18], $0x4000  }
0x8f: {  	[sflag:s18] =	ssyncset.done $0x0  }
0x90: {  	[sflag:s18] =	ssyncadd.s32 $0xFFFFC000  }
0x91: {  	_ =	swait.ge [sflag:s20], $0x4000  }
0x92: {  	[sflag:s20] =	ssyncset.done $0x0  }
0x93: {  	[sflag:s20] =	ssyncadd.s32 $0xFFFFC000  }
0x94: {  	_ =	swait.ge [sflag:s29], $0x4000  }
0x95: {  	[sflag:s29] =	ssyncset.done $0x0  }
0x96: {  	[sflag:s29] =	ssyncadd.s32 $0xFFFFC000  }
0x97: {  	_ =	swait.ge [sflag:s6], $0x4000  }
0x98: {  	[sflag:s6] =	ssyncset.done $0x0  }
0x99: {  	[sflag:s6] =	ssyncadd.s32 $0xFFFFC000  }
0x9a: {  	_ =	swait.ge [sflag:s8], $0x4000  }
0x9b: {  	s9 =	sadd.s32 $0x1, s9;
	s21 =	rddreg [dreg:$0xb]  }
0x9c: {  	p0 =	sne.s32 s9, s21  }
.Ltmp1:
0x9d: {  	_ = 	snop;
	(pc) =	sbr.rel @p0 .LBB2_1-.Ltmp1, $3  }
0x9e: {  	_ =	sdelay $0x1  }
0x9f: {  	[sflag:s8] =	ssyncset.done $0x0  }
0xa0: {  	[sflag:s8] =	ssyncadd.s32 $0xFFFFC000  }
0xa1: {  	_ =	sfence.sel $0x180000  }
0xa2: {  	[bflag:$0x0] =	sbarrier.arrive $0xFFFF  }
0xa3: {  	_ =	strace $0x90000047  }
0xa4: {  	s0 =	stileid.u32;
	[bflag:$0x2] =	sbarrier.arrive $0xFFFF  }
0xa5: {  	p0 =	sne.s32 s0, $0x0;
	s0 =	rddreg [dreg:$0x3]  }
0xa6: {  	s0 =	sadd.s32 @!p0 $0x100000, s0  }
0xa7: {  	[sflag:s0] =	ssyncadd.tile.s32 @!p0 $0x1;
	_ =	shalt  }
.Lfunc_end2:
_tile_overlayer_lowered:
.L_overlay_start_2:
0xa8: {  	(tag) =	ssettag $0x2  }
0xa9: {  	s0 =	rddreg [dreg:$0x0];
	s2 =	stileid.u32  }
0xaa: {  	s1 =	rddreg [dreg:$0x1];
	p0 =	sne.s32 s2, $0x0  }
0xab: {  	s3 =	rddreg [dreg:$0x2];
	[bflag:$0x3] =	sbarrier.arrive $0xFFFF;
	s2 =	simm.s32 @!p0 $0x1C0B  }
0xac: {  	[timem:s3], [sflag:s2] =	dma.local @!p0 [hbm:s0], s1  }
0xad: {  	s0 =	simm.s32 @!p0 $0xB  }
0xae: {  	_ =	swait.ge @!p0 [sflag:s0], s1  }
0xaf: {  	s1 =	ssub.s32 @!p0 $0x0, s1;
	[sflag:s0] =	ssyncset.done @!p0 $0x0  }
0xb0: {  	[sflag:s0] =	ssyncadd.s32 @!p0 s1  }
0xb1: {  	[bflag:$0x3] =	sbarrier.arrive $0xFFFF  }
0xb2: {  	_ =	shalt  }

</sc_bundles>
